<compile_context>
chip_gen: v7x
topology: tpu7x:2x2x1
jax: 0.10.2.dev20260603
libtpu: 0.0.44.dev20260713+nightly
codegen_flags: <defaults>
</compile_context>

<pallas_src>
import functools

import jax
import jax.numpy as jnp
from jax import lax
from jax.experimental import pallas as pl
from jax.experimental.pallas import tpu as pltpu
from jax.experimental.pallas import tpu_sc as plsc

B = 4096
L = 200
H = 64
HP = 128
N = B * L
CHUNK = 128
LANES = 16
QR = H // LANES
NBUF = 5
POSR = L + CHUNK - 8


@functools.lru_cache(maxsize=None)
def _build(nc: int, ns: int):
    nw = nc * ns
    per_w = N // nw
    n_chunks = per_w // CHUNK
    assert per_w % CHUNK == 0 and n_chunks % NBUF == 0 and per_w % L == 0

    mesh = plsc.VectorSubcoreMesh(
        core_axis_name="c", subcore_axis_name="s",
        num_cores=nc, num_subcores=ns,
    )

    @functools.partial(
        pl.kernel,
        out_type=jax.ShapeDtypeStruct((N, HP), jnp.float32),
        mesh=mesh,
        compiler_params=pltpu.CompilerParams(use_tc_tiling_on_sc=False),
        scratch_types=[
            pltpu.VMEM((n_chunks, CHUNK), jnp.int32),
            pltpu.VMEM((POSR, H), jnp.float32),
            [pltpu.VMEM((CHUNK, H), jnp.float32)] * NBUF,
            [pltpu.VMEM((CHUNK, H), jnp.float32)] * NBUF,
            [pltpu.SemaphoreType.DMA] * NBUF,
            [pltpu.SemaphoreType.DMA] * NBUF,
        ],
    )
    def run(idx_hbm, table_hbm, pos2_hbm, out_hbm,
            idx_v, pos_v, gbufs, obufs, gsems, ssems):
        wid = lax.axis_index("s") * nc + lax.axis_index("c")
        row0 = wid * per_w

        pltpu.sync_copy(idx_hbm.at[pl.ds(wid * n_chunks, n_chunks)], idx_v)
        pltpu.sync_copy(pos2_hbm, pos_v)

        def start_gather(c, buf, sem):
            pltpu.async_copy(table_hbm.at[idx_v.at[c]], buf, sem)

        def wait_gather(c, buf, sem):
            pltpu.make_async_copy(table_hbm.at[idx_v.at[c]], buf, sem).wait()

        def start_scatter(c, buf, sem):
            pltpu.async_copy(
                buf, out_hbm.at[pl.ds(row0 + c * CHUNK, CHUNK), pl.ds(0, H)],
                sem)

        def wait_scatter(c, buf, sem):
            pltpu.make_async_copy(
                buf, out_hbm.at[pl.ds(row0 + c * CHUNK, CHUNK), pl.ds(0, H)],
                sem).wait()

        def add_pos(c, gbuf, obuf):
            ph = lax.rem(c * CHUNK, L)

            @plsc.parallel_loop(0, CHUNK, step=1, unroll=8)
            def _(r):
                for q in range(QR):
                    sl = pl.ds(q * LANES, LANES)
                    obuf[r, sl] = gbuf[r, sl] + pos_v[ph + r, sl]

        nbuf = NBUF
        for k in range(nbuf):
            start_gather(k, gbufs[k], gsems[k])

        def cbody(cc, _):
            for k in range(nbuf):
                c = nbuf * cc + k
                wait_gather(c, gbufs[k], gsems[k])

                @pl.when(cc > 0)
                def _(k=k, c=c):
                    wait_scatter(c - nbuf, obufs[k], ssems[k])
                add_pos(c, gbufs[k], obufs[k])
                start_scatter(c, obufs[k], ssems[k])

                @pl.when(cc < n_chunks // nbuf - 1)
                def _(k=k, c=c):
                    start_gather(c + nbuf, gbufs[k], gsems[k])
            return 0

        lax.fori_loop(0, n_chunks // nbuf, cbody, 0)
        for k in range(nbuf):
            wait_scatter(n_chunks - nbuf + k, obufs[k], ssems[k])

    return run


def kernel(input_ids, embed_table, pos_embed):
    info = plsc.get_sparse_core_info()
    run = _build(info.num_cores, info.num_subcores)
    idx = jnp.reshape(input_ids.astype(jnp.int32), (N // CHUNK, CHUNK))
    pos2 = jnp.concatenate([pos_embed, pos_embed], axis=0)[:POSR]
    out = run(idx, embed_table, pos2)
    return jnp.reshape(out[:, :H], (B, L, H))

# --- scband reference (transcript-rebuilt; emitter-appended) ---
"""Pipeline reference for scband-sasrec-embedding-18416819765337 (READ-ONLY COPY).

The authoritative reference and input builder live on the scoring server;
editing this copy changes nothing except your own understanding.
"""

import jax, jax.numpy as jnp
import numpy as np

NUM_ITEMS = 1000000
MAX_LEN = 200
HIDDEN = 64
BATCH = 4096


def setup_inputs(seed: int = 0) -> dict:
    key = jax.random.key(seed)
    k1, k2, k3 = jax.random.split(key, 3)
    input_ids = jax.random.randint(k1, (BATCH, MAX_LEN), 0, NUM_ITEMS, dtype=jnp.int64 if jax.config.jax_enable_x64 else jnp.int32)
    embed_table = jax.random.normal(k2, (NUM_ITEMS, HIDDEN), dtype=jnp.float32) * 0.02
    pos_embed = jax.random.normal(k3, (MAX_LEN, HIDDEN), dtype=jnp.float32) * 0.02
    return {"input_ids": input_ids, "embed_table": embed_table, "pos_embed": pos_embed}


def reference(input_ids, embed_table, pos_embed):
    # SASRecEmbedding forward: item embedding lookup + positional embedding.
    # Dropout is deterministic (eval mode) -> identity.
    seq_len = input_ids.shape[1]
    x = jnp.take(embed_table, input_ids, axis=0)  # [B, L, H] gather
    pos = pos_embed[:seq_len, :]                  # [L, H]
    x = x + pos
    return x

if __name__ == "__main__":
    import jax
    _d = setup_inputs()
    print(jax.jit(kernel)(*tuple(_d.values())))

</pallas_src>

<mosaic_0001>
#map = affine_map<(d0, d1) -> (0, 0)>
module attributes {stable_mosaic.version = 14 : i64} {
  func.func @run(%arg0: i32, %arg1: i32, %arg2: memref<6400x128xi32, #tpu.memory_space<hbm>>, %arg3: memref<1000000x64xf32, #tpu.memory_space<hbm>>, %arg4: memref<320x64xf32, #tpu.memory_space<hbm>>, %arg5: memref<819200x128xf32, #tpu.memory_space<hbm>>, %arg6: memref<200x128xi32, #tpu.memory_space<vmem>>, %arg7: memref<320x64xf32, #tpu.memory_space<vmem>>, %arg8: memref<128x64xf32, #tpu.memory_space<vmem>>, %arg9: memref<128x64xf32, #tpu.memory_space<vmem>>, %arg10: memref<128x64xf32, #tpu.memory_space<vmem>>, %arg11: memref<128x64xf32, #tpu.memory_space<vmem>>, %arg12: memref<128x64xf32, #tpu.memory_space<vmem>>, %arg13: memref<128x64xf32, #tpu.memory_space<vmem>>, %arg14: memref<128x64xf32, #tpu.memory_space<vmem>>, %arg15: memref<128x64xf32, #tpu.memory_space<vmem>>, %arg16: memref<128x64xf32, #tpu.memory_space<vmem>>, %arg17: memref<128x64xf32, #tpu.memory_space<vmem>>, %arg18: memref<!tpu.dma_semaphore, #tpu.memory_space<semaphore_mem>>, %arg19: memref<!tpu.dma_semaphore, #tpu.memory_space<semaphore_mem>>, %arg20: memref<!tpu.dma_semaphore, #tpu.memory_space<semaphore_mem>>, %arg21: memref<!tpu.dma_semaphore, #tpu.memory_space<semaphore_mem>>, %arg22: memref<!tpu.dma_semaphore, #tpu.memory_space<semaphore_mem>>, %arg23: memref<!tpu.dma_semaphore, #tpu.memory_space<semaphore_mem>>, %arg24: memref<!tpu.dma_semaphore, #tpu.memory_space<semaphore_mem>>, %arg25: memref<!tpu.dma_semaphore, #tpu.memory_space<semaphore_mem>>, %arg26: memref<!tpu.dma_semaphore, #tpu.memory_space<semaphore_mem>>, %arg27: memref<!tpu.dma_semaphore, #tpu.memory_space<semaphore_mem>>) attributes {dimension_semantics = [#tpu.dimension_semantics<core_parallel>, #tpu.dimension_semantics<subcore_parallel>], iteration_bounds = array<i64: 2, 16>, scalar_prefetch = 0 : i64, scratch_operands = 22 : i64, tpu.core_type = #tpu.core_type<sc_vector_subcore>, window_params = [{transform_indices = #map}, {transform_indices = #map}, {transform_indices = #map}, {transform_indices = #map}]} {
    %mul3A = arith.constant 2 : i32
    %mul3A_0 = arith.muli %arg1, %mul3A : i32
    %add3A = arith.addi %mul3A_0, %arg0 : i32
    %mul3A_1 = arith.constant 25600 : i32
    %mul3A_2 = arith.muli %add3A, %mul3A_1 : i32
    %mul3A_3 = arith.constant 200 : i32
    %mul3A_4 = arith.muli %add3A, %mul3A_3 : i32
    "tpu.region"() ({
      %run_scoped3A = tpu.sem_alloc : memref<!tpu.dma_semaphore, #tpu.memory_space<semaphore_mem>>
      %dma_start3A_74 = arith.constant 0 : i32
      %dma_start3A_75 = tpu.memref_slice %arg2[%mul3A_4, %dma_start3A_74] : memref<6400x128xi32, #tpu.memory_space<hbm>> -> memref<200x128xi32, #tpu.memory_space<hbm>>
      %dma_start3A_76 = arith.constant 0 : i32
      %dma_start3A_77 = tpu.memref_slice %arg2[%mul3A_4, %dma_start3A_76] : memref<6400x128xi32, #tpu.memory_space<hbm>> -> memref<200x128xi32, #tpu.memory_space<hbm>>
      tpu.enqueue_dma source(%dma_start3A_77 : memref<200x128xi32, #tpu.memory_space<hbm>>) target(%arg6 : memref<200x128xi32, #tpu.memory_space<vmem>>) target_semaphore(%run_scoped3A : memref<!tpu.dma_semaphore, #tpu.memory_space<semaphore_mem>>)
      %dma_wait3A_78 = arith.constant 0 : i32
      %dma_wait3A_79 = tpu.memref_slice %arg2[%mul3A_4, %dma_wait3A_78] : memref<6400x128xi32, #tpu.memory_space<hbm>> -> memref<200x128xi32, #tpu.memory_space<hbm>>
      %dma_wait3A_80 = arith.constant 0 : i32
      %dma_wait3A_81 = tpu.memref_slice %arg2[%mul3A_4, %dma_wait3A_80] : memref<6400x128xi32, #tpu.memory_space<hbm>> -> memref<200x128xi32, #tpu.memory_space<hbm>>
      tpu.wait_dma2 semaphore(%run_scoped3A : memref<!tpu.dma_semaphore, #tpu.memory_space<semaphore_mem>>) src(%dma_wait3A_81 : memref<200x128xi32, #tpu.memory_space<hbm>>) dst(%arg6 : memref<200x128xi32, #tpu.memory_space<vmem>>)
      tpu.yield
    }) : () -> ()
    "tpu.region"() ({
      %run_scoped3A = tpu.sem_alloc : memref<!tpu.dma_semaphore, #tpu.memory_space<semaphore_mem>>
      tpu.enqueue_dma source(%arg4 : memref<320x64xf32, #tpu.memory_space<hbm>>) target(%arg7 : memref<320x64xf32, #tpu.memory_space<vmem>>) target_semaphore(%run_scoped3A : memref<!tpu.dma_semaphore, #tpu.memory_space<semaphore_mem>>)
      tpu.wait_dma2 semaphore(%run_scoped3A : memref<!tpu.dma_semaphore, #tpu.memory_space<semaphore_mem>>) src(%arg4 : memref<320x64xf32, #tpu.memory_space<hbm>>) dst(%arg7 : memref<320x64xf32, #tpu.memory_space<vmem>>)
      tpu.yield
    }) : () -> ()
    %dma_start3A = arith.constant 0 : i32
    %dma_start3A_5 = arith.constant 0 : i32
    %dma_start3A_6 = tpu.memref_slice %arg6[%dma_start3A, %dma_start3A_5] : memref<200x128xi32, #tpu.memory_space<vmem>> -> memref<1x128xi32, #tpu.memory_space<vmem>>
    %dma_start3A_7 = tpu.memref_squeeze %dma_start3A_6 : memref<1x128xi32, #tpu.memory_space<vmem>> -> memref<128xi32, #tpu.memory_space<vmem>>
    %dma_start3A_8 = arith.constant 0 : i32
    %dma_start3A_9 = arith.constant 0 : i32
    %dma_start3A_10 = tpu.memref_slice %arg3[%dma_start3A_8, %dma_start3A_9] : memref<1000000x64xf32, #tpu.memory_space<hbm>> -> memref<1000000x64xf32, #tpu.memory_space<hbm>>
    tpu.enqueue_indirect_dma source(%dma_start3A_10 : memref<1000000x64xf32, #tpu.memory_space<hbm>>) target(%arg8 : memref<128x64xf32, #tpu.memory_space<vmem>>) offsets(%dma_start3A_7 : memref<128xi32, #tpu.memory_space<vmem>>) semaphore(%arg18 : memref<!tpu.dma_semaphore, #tpu.memory_space<semaphore_mem>>)
    %dma_start3A_11 = arith.constant 1 : i32
    %dma_start3A_12 = arith.constant 0 : i32
    %dma_start3A_13 = tpu.memref_slice %arg6[%dma_start3A_11, %dma_start3A_12] : memref<200x128xi32, #tpu.memory_space<vmem>> -> memref<1x128xi32, #tpu.memory_space<vmem>>
    %dma_start3A_14 = tpu.memref_squeeze %dma_start3A_13 : memref<1x128xi32, #tpu.memory_space<vmem>> -> memref<128xi32, #tpu.memory_space<vmem>>
    %dma_start3A_15 = arith.constant 0 : i32
    %dma_start3A_16 = arith.constant 0 : i32
    %dma_start3A_17 = tpu.memref_slice %arg3[%dma_start3A_15, %dma_start3A_16] : memref<1000000x64xf32, #tpu.memory_space<hbm>> -> memref<1000000x64xf32, #tpu.memory_space<hbm>>
    tpu.enqueue_indirect_dma source(%dma_start3A_17 : memref<1000000x64xf32, #tpu.memory_space<hbm>>) target(%arg9 : memref<128x64xf32, #tpu.memory_space<vmem>>) offsets(%dma_start3A_14 : memref<128xi32, #tpu.memory_space<vmem>>) semaphore(%arg19 : memref<!tpu.dma_semaphore, #tpu.memory_space<semaphore_mem>>)
    %dma_start3A_18 = arith.constant 2 : i32
    %dma_start3A_19 = arith.constant 0 : i32
    %dma_start3A_20 = tpu.memref_slice %arg6[%dma_start3A_18, %dma_start3A_19] : memref<200x128xi32, #tpu.memory_space<vmem>> -> memref<1x128xi32, #tpu.memory_space<vmem>>
    %dma_start3A_21 = tpu.memref_squeeze %dma_start3A_20 : memref<1x128xi32, #tpu.memory_space<vmem>> -> memref<128xi32, #tpu.memory_space<vmem>>
    %dma_start3A_22 = arith.constant 0 : i32
    %dma_start3A_23 = arith.constant 0 : i32
    %dma_start3A_24 = tpu.memref_slice %arg3[%dma_start3A_22, %dma_start3A_23] : memref<1000000x64xf32, #tpu.memory_space<hbm>> -> memref<1000000x64xf32, #tpu.memory_space<hbm>>
    tpu.enqueue_indirect_dma source(%dma_start3A_24 : memref<1000000x64xf32, #tpu.memory_space<hbm>>) target(%arg10 : memref<128x64xf32, #tpu.memory_space<vmem>>) offsets(%dma_start3A_21 : memref<128xi32, #tpu.memory_space<vmem>>) semaphore(%arg20 : memref<!tpu.dma_semaphore, #tpu.memory_space<semaphore_mem>>)
    %dma_start3A_25 = arith.constant 3 : i32
    %dma_start3A_26 = arith.constant 0 : i32
    %dma_start3A_27 = tpu.memref_slice %arg6[%dma_start3A_25, %dma_start3A_26] : memref<200x128xi32, #tpu.memory_space<vmem>> -> memref<1x128xi32, #tpu.memory_space<vmem>>
    %dma_start3A_28 = tpu.memref_squeeze %dma_start3A_27 : memref<1x128xi32, #tpu.memory_space<vmem>> -> memref<128xi32, #tpu.memory_space<vmem>>
    %dma_start3A_29 = arith.constant 0 : i32
    %dma_start3A_30 = arith.constant 0 : i32
    %dma_start3A_31 = tpu.memref_slice %arg3[%dma_start3A_29, %dma_start3A_30] : memref<1000000x64xf32, #tpu.memory_space<hbm>> -> memref<1000000x64xf32, #tpu.memory_space<hbm>>
    tpu.enqueue_indirect_dma source(%dma_start3A_31 : memref<1000000x64xf32, #tpu.memory_space<hbm>>) target(%arg11 : memref<128x64xf32, #tpu.memory_space<vmem>>) offsets(%dma_start3A_28 : memref<128xi32, #tpu.memory_space<vmem>>) semaphore(%arg21 : memref<!tpu.dma_semaphore, #tpu.memory_space<semaphore_mem>>)
    %dma_start3A_32 = arith.constant 4 : i32
    %dma_start3A_33 = arith.constant 0 : i32
    %dma_start3A_34 = tpu.memref_slice %arg6[%dma_start3A_32, %dma_start3A_33] : memref<200x128xi32, #tpu.memory_space<vmem>> -> memref<1x128xi32, #tpu.memory_space<vmem>>
    %dma_start3A_35 = tpu.memref_squeeze %dma_start3A_34 : memref<1x128xi32, #tpu.memory_space<vmem>> -> memref<128xi32, #tpu.memory_space<vmem>>
    %dma_start3A_36 = arith.constant 0 : i32
    %dma_start3A_37 = arith.constant 0 : i32
    %dma_start3A_38 = tpu.memref_slice %arg3[%dma_start3A_36, %dma_start3A_37] : memref<1000000x64xf32, #tpu.memory_space<hbm>> -> memref<1000000x64xf32, #tpu.memory_space<hbm>>
    tpu.enqueue_indirect_dma source(%dma_start3A_38 : memref<1000000x64xf32, #tpu.memory_space<hbm>>) target(%arg12 : memref<128x64xf32, #tpu.memory_space<vmem>>) offsets(%dma_start3A_35 : memref<128xi32, #tpu.memory_space<vmem>>) semaphore(%arg22 : memref<!tpu.dma_semaphore, #tpu.memory_space<semaphore_mem>>)
    %scan3A = arith.constant 0 : i32
    %scan3A_39 = arith.constant 0 : i32
    %scan3A_40 = arith.constant 40 : i32
    %scan3A_41 = arith.addi %scan3A_39, %scan3A_40 : i32
    %scan3A_42 = arith.constant 1 : i32
    %scan3A_43 = scf.for %scan3A_74 = %scan3A_39 to %scan3A_41 step %scan3A_42 iter_args(%scan3A_75 = %scan3A) -> (i32)  : i32 {
      %mul3A_76 = arith.constant 5 : i32
      %mul3A_77 = arith.muli %mul3A_76, %scan3A_74 : i32
      %add3A_78 = arith.constant 0 : i32
      %add3A_79 = arith.addi %mul3A_77, %add3A_78 : i32
      %dma_wait3A_80 = arith.constant 0 : i32
      %dma_wait3A_81 = tpu.memref_slice %arg6[%add3A_79, %dma_wait3A_80] : memref<200x128xi32, #tpu.memory_space<vmem>> -> memref<1x128xi32, #tpu.memory_space<vmem>>
      %dma_wait3A_82 = tpu.memref_squeeze %dma_wait3A_81 : memref<1x128xi32, #tpu.memory_space<vmem>> -> memref<128xi32, #tpu.memory_space<vmem>>
      %dma_wait3A_83 = arith.constant 0 : i32
      %dma_wait3A_84 = arith.constant 0 : i32
      %dma_wait3A_85 = tpu.memref_slice %arg3[%dma_wait3A_83, %dma_wait3A_84] : memref<1000000x64xf32, #tpu.memory_space<hbm>> -> memref<1000000x64xf32, #tpu.memory_space<hbm>>
      tpu.wait_indirect_dma semaphore(%arg18 : memref<!tpu.dma_semaphore, #tpu.memory_space<semaphore_mem>>) src(%dma_wait3A_85 : memref<1000000x64xf32, #tpu.memory_space<hbm>>) dst(%arg8 : memref<128x64xf32, #tpu.memory_space<vmem>>)
      %gt3A = arith.constant 0 : i32
      %gt3A_86 = arith.cmpi sgt, %scan3A_74, %gt3A : i32
      %convert_element_type3A = arith.extui %gt3A_86 : i1 to i32
      %cond3A = arith.constant 0 : i32
      %cond3A_87 = arith.cmpi ne, %convert_element_type3A, %cond3A : i32
      scf.if %cond3A_87 {
        %sub3A = arith.constant 5 : i32
        %sub3A_241 = arith.subi %add3A_79, %sub3A : i32
        %mul3A_242 = arith.constant 128 : i32
        %mul3A_243 = arith.muli %sub3A_241, %mul3A_242 : i32
        %add3A_244 = arith.addi %mul3A_2, %mul3A_243 : i32
        %dma_wait3A_245 = arith.constant 0 : i32
        %dma_wait3A_246 = tpu.memref_slice %arg5[%add3A_244, %dma_wait3A_245] : memref<819200x128xf32, #tpu.memory_space<hbm>> -> memref<128x64xf32, #tpu.memory_space<hbm>>
        %dma_wait3A_247 = arith.constant 0 : i32
        %dma_wait3A_248 = tpu.memref_slice %arg5[%add3A_244, %dma_wait3A_247] : memref<819200x128xf32, #tpu.memory_space<hbm>> -> memref<128x64xf32, #tpu.memory_space<hbm>>
        tpu.wait_dma2 semaphore(%arg23 : memref<!tpu.dma_semaphore, #tpu.memory_space<semaphore_mem>>) src(%arg13 : memref<128x64xf32, #tpu.memory_space<vmem>>) dst(%dma_wait3A_248 : memref<128x64xf32, #tpu.memory_space<hbm>>)
      } else {
      }
      %mul3A_88 = arith.constant 128 : i32
      %mul3A_89 = arith.muli %add3A_79, %mul3A_88 : i32
      %rem3A = arith.constant 200 : i32
      %rem3A_90 = arith.remsi %mul3A_89, %rem3A : i32
      %parallel_loop3A = arith.constant 0 : i32
      %parallel_loop3A_91 = arith.constant 128 : i32
      %parallel_loop3A_92 = arith.constant 1 : i32
      scf.for %parallel_loop3A_241 = %parallel_loop3A to %parallel_loop3A_91 step %parallel_loop3A_92  : i32 {
        %parallel_loop3A_242 = arith.index_cast %parallel_loop3A_241 : i32 to index
        %parallel_loop3A_243 = arith.constant 0 : index
        %parallel_loop3A_244 = tpu.vector_load %arg8[%parallel_loop3A_242, %parallel_loop3A_243] {strides = array<i32>} : memref<128x64xf32, #tpu.memory_space<vmem>>, vector<1x16xf32>,
        %parallel_loop3A_245 = vector.shape_cast %parallel_loop3A_244 : vector<1x16xf32> to vector<16xf32>
        %parallel_loop3A_246 = arith.addi %rem3A_90, %parallel_loop3A_241 : i32
        %parallel_loop3A_247 = arith.index_cast %parallel_loop3A_246 : i32 to index
        %parallel_loop3A_248 = arith.constant 0 : index
        %parallel_loop3A_249 = tpu.vector_load %arg7[%parallel_loop3A_247, %parallel_loop3A_248] {strides = array<i32>} : memref<320x64xf32, #tpu.memory_space<vmem>>, vector<1x16xf32>,
        %parallel_loop3A_250 = vector.shape_cast %parallel_loop3A_249 : vector<1x16xf32> to vector<16xf32>
        %parallel_loop3A_251 = arith.addf %parallel_loop3A_245, %parallel_loop3A_250 : vector<16xf32>
        %parallel_loop3A_252 = arith.index_cast %parallel_loop3A_241 : i32 to index
        %parallel_loop3A_253 = arith.constant 0 : index
        %parallel_loop3A_254 = tpu.vector_load %arg13[%parallel_loop3A_252, %parallel_loop3A_253] {strides = array<i32>} : memref<128x64xf32, #tpu.memory_space<vmem>>, vector<1x16xf32>,
        %parallel_loop3A_255 = vector.shape_cast %parallel_loop3A_254 : vector<1x16xf32> to vector<16xf32>
        %parallel_loop3A_256 = vector.shape_cast %parallel_loop3A_251 : vector<16xf32> to vector<1x16xf32>
        tpu.vector_store %arg13[%parallel_loop3A_252, %parallel_loop3A_253], %parallel_loop3A_256 {strides = array<i32>} : memref<128x64xf32, #tpu.memory_space<vmem>>, vector<1x16xf32>,
        %parallel_loop3A_257 = arith.index_cast %parallel_loop3A_241 : i32 to index
        %parallel_loop3A_258 = arith.constant 16 : index
        %parallel_loop3A_259 = tpu.vector_load %arg8[%parallel_loop3A_257, %parallel_loop3A_258] {strides = array<i32>} : memref<128x64xf32, #tpu.memory_space<vmem>>, vector<1x16xf32>,
        %parallel_loop3A_260 = vector.shape_cast %parallel_loop3A_259 : vector<1x16xf32> to vector<16xf32>
        %parallel_loop3A_261 = arith.addi %rem3A_90, %parallel_loop3A_241 : i32
        %parallel_loop3A_262 = arith.index_cast %parallel_loop3A_261 : i32 to index
        %parallel_loop3A_263 = arith.constant 16 : index
        %parallel_loop3A_264 = tpu.vector_load %arg7[%parallel_loop3A_262, %parallel_loop3A_263] {strides = array<i32>} : memref<320x64xf32, #tpu.memory_space<vmem>>, vector<1x16xf32>,
        %parallel_loop3A_265 = vector.shape_cast %parallel_loop3A_264 : vector<1x16xf32> to vector<16xf32>
        %parallel_loop3A_266 = arith.addf %parallel_loop3A_260, %parallel_loop3A_265 : vector<16xf32>
        %parallel_loop3A_267 = arith.index_cast %parallel_loop3A_241 : i32 to index
        %parallel_loop3A_268 = arith.constant 16 : index
        %parallel_loop3A_269 = tpu.vector_load %arg13[%parallel_loop3A_267, %parallel_loop3A_268] {strides = array<i32>} : memref<128x64xf32, #tpu.memory_space<vmem>>, vector<1x16xf32>,
        %parallel_loop3A_270 = vector.shape_cast %parallel_loop3A_269 : vector<1x16xf32> to vector<16xf32>
        %parallel_loop3A_271 = vector.shape_cast %parallel_loop3A_266 : vector<16xf32> to vector<1x16xf32>
        tpu.vector_store %arg13[%parallel_loop3A_267, %parallel_loop3A_268], %parallel_loop3A_271 {strides = array<i32>} : memref<128x64xf32, #tpu.memory_space<vmem>>, vector<1x16xf32>,
        %parallel_loop3A_272 = arith.index_cast %parallel_loop3A_241 : i32 to index
        %parallel_loop3A_273 = arith.constant 32 : index
        %parallel_loop3A_274 = tpu.vector_load %arg8[%parallel_loop3A_272, %parallel_loop3A_273] {strides = array<i32>} : memref<128x64xf32, #tpu.memory_space<vmem>>, vector<1x16xf32>,
        %parallel_loop3A_275 = vector.shape_cast %parallel_loop3A_274 : vector<1x16xf32> to vector<16xf32>
        %parallel_loop3A_276 = arith.addi %rem3A_90, %parallel_loop3A_241 : i32
        %parallel_loop3A_277 = arith.index_cast %parallel_loop3A_276 : i32 to index
        %parallel_loop3A_278 = arith.constant 32 : index
        %parallel_loop3A_279 = tpu.vector_load %arg7[%parallel_loop3A_277, %parallel_loop3A_278] {strides = array<i32>} : memref<320x64xf32, #tpu.memory_space<vmem>>, vector<1x16xf32>,
        %parallel_loop3A_280 = vector.shape_cast %parallel_loop3A_279 : vector<1x16xf32> to vector<16xf32>
        %parallel_loop3A_281 = arith.addf %parallel_loop3A_275, %parallel_loop3A_280 : vector<16xf32>
        %parallel_loop3A_282 = arith.index_cast %parallel_loop3A_241 : i32 to index
        %parallel_loop3A_283 = arith.constant 32 : index
        %parallel_loop3A_284 = tpu.vector_load %arg13[%parallel_loop3A_282, %parallel_loop3A_283] {strides = array<i32>} : memref<128x64xf32, #tpu.memory_space<vmem>>, vector<1x16xf32>,
        %parallel_loop3A_285 = vector.shape_cast %parallel_loop3A_284 : vector<1x16xf32> to vector<16xf32>
        %parallel_loop3A_286 = vector.shape_cast %parallel_loop3A_281 : vector<16xf32> to vector<1x16xf32>
        tpu.vector_store %arg13[%parallel_loop3A_282, %parallel_loop3A_283], %parallel_loop3A_286 {strides = array<i32>} : memref<128x64xf32, #tpu.memory_space<vmem>>, vector<1x16xf32>,
        %parallel_loop3A_287 = arith.index_cast %parallel_loop3A_241 : i32 to index
        %parallel_loop3A_288 = arith.constant 48 : index
        %parallel_loop3A_289 = tpu.vector_load %arg8[%parallel_loop3A_287, %parallel_loop3A_288] {strides = array<i32>} : memref<128x64xf32, #tpu.memory_space<vmem>>, vector<1x16xf32>,
        %parallel_loop3A_290 = vector.shape_cast %parallel_loop3A_289 : vector<1x16xf32> to vector<16xf32>
        %parallel_loop3A_291 = arith.addi %rem3A_90, %parallel_loop3A_241 : i32
        %parallel_loop3A_292 = arith.index_cast %parallel_loop3A_291 : i32 to index
        %parallel_loop3A_293 = arith.constant 48 : index
        %parallel_loop3A_294 = tpu.vector_load %arg7[%parallel_loop3A_292, %parallel_loop3A_293] {strides = array<i32>} : memref<320x64xf32, #tpu.memory_space<vmem>>, vector<1x16xf32>,
        %parallel_loop3A_295 = vector.shape_cast %parallel_loop3A_294 : vector<1x16xf32> to vector<16xf32>
        %parallel_loop3A_296 = arith.addf %parallel_loop3A_290, %parallel_loop3A_295 : vector<16xf32>
        %parallel_loop3A_297 = arith.index_cast %parallel_loop3A_241 : i32 to index
        %parallel_loop3A_298 = arith.constant 48 : index
        %parallel_loop3A_299 = tpu.vector_load %arg13[%parallel_loop3A_297, %parallel_loop3A_298] {strides = array<i32>} : memref<128x64xf32, #tpu.memory_space<vmem>>, vector<1x16xf32>,
        %parallel_loop3A_300 = vector.shape_cast %parallel_loop3A_299 : vector<1x16xf32> to vector<16xf32>
        %parallel_loop3A_301 = vector.shape_cast %parallel_loop3A_296 : vector<16xf32> to vector<1x16xf32>
        tpu.vector_store %arg13[%parallel_loop3A_297, %parallel_loop3A_298], %parallel_loop3A_301 {strides = array<i32>} : memref<128x64xf32, #tpu.memory_space<vmem>>, vector<1x16xf32>,
      } {sc.loop_unroll_factor = 8 : i64, sc.parallel_access}
      %mul3A_93 = arith.constant 128 : i32
      %mul3A_94 = arith.muli %add3A_79, %mul3A_93 : i32
      %add3A_95 = arith.addi %mul3A_2, %mul3A_94 : i32
      %dma_start3A_96 = arith.constant 0 : i32
      %dma_start3A_97 = tpu.memref_slice %arg5[%add3A_95, %dma_start3A_96] : memref<819200x128xf32, #tpu.memory_space<hbm>> -> memref<128x64xf32, #tpu.memory_space<hbm>>
      %dma_start3A_98 = arith.constant 0 : i32
      %dma_start3A_99 = tpu.memref_slice %arg5[%add3A_95, %dma_start3A_98] : memref<819200x128xf32, #tpu.memory_space<hbm>> -> memref<128x64xf32, #tpu.memory_space<hbm>>
      tpu.enqueue_dma source(%arg13 : memref<128x64xf32, #tpu.memory_space<vmem>>) target(%dma_start3A_99 : memref<128x64xf32, #tpu.memory_space<hbm>>) target_semaphore(%arg23 : memref<!tpu.dma_semaphore, #tpu.memory_space<semaphore_mem>>)
      %lt3A = arith.constant 39 : i32
      %lt3A_100 = arith.cmpi slt, %scan3A_74, %lt3A : i32
      %convert_element_type3A_101 = arith.extui %lt3A_100 : i1 to i32
      %cond3A_102 = arith.constant 0 : i32
      %cond3A_103 = arith.cmpi ne, %convert_element_type3A_101, %cond3A_102 : i32
      scf.if %cond3A_103 {
        %add3A_241 = arith.constant 5 : i32
        %add3A_242 = arith.addi %add3A_79, %add3A_241 : i32
        %dma_start3A_243 = arith.constant 0 : i32
        %dma_start3A_244 = tpu.memref_slice %arg6[%add3A_242, %dma_start3A_243] : memref<200x128xi32, #tpu.memory_space<vmem>> -> memref<1x128xi32, #tpu.memory_space<vmem>>
        %dma_start3A_245 = tpu.memref_squeeze %dma_start3A_244 : memref<1x128xi32, #tpu.memory_space<vmem>> -> memref<128xi32, #tpu.memory_space<vmem>>
        %dma_start3A_246 = arith.constant 0 : i32
        %dma_start3A_247 = arith.constant 0 : i32
        %dma_start3A_248 = tpu.memref_slice %arg3[%dma_start3A_246, %dma_start3A_247] : memref<1000000x64xf32, #tpu.memory_space<hbm>> -> memref<1000000x64xf32, #tpu.memory_space<hbm>>
        tpu.enqueue_indirect_dma source(%dma_start3A_248 : memref<1000000x64xf32, #tpu.memory_space<hbm>>) target(%arg8 : memref<128x64xf32, #tpu.memory_space<vmem>>) offsets(%dma_start3A_245 : memref<128xi32, #tpu.memory_space<vmem>>) semaphore(%arg18 : memref<!tpu.dma_semaphore, #tpu.memory_space<semaphore_mem>>)
      } else {
      }
      %mul3A_104 = arith.constant 5 : i32
      %mul3A_105 = arith.muli %mul3A_104, %scan3A_74 : i32
      %add3A_106 = arith.constant 1 : i32
      %add3A_107 = arith.addi %mul3A_105, %add3A_106 : i32
      %dma_wait3A_108 = arith.constant 0 : i32
      %dma_wait3A_109 = tpu.memref_slice %arg6[%add3A_107, %dma_wait3A_108] : memref<200x128xi32, #tpu.memory_space<vmem>> -> memref<1x128xi32, #tpu.memory_space<vmem>>
      %dma_wait3A_110 = tpu.memref_squeeze %dma_wait3A_109 : memref<1x128xi32, #tpu.memory_space<vmem>> -> memref<128xi32, #tpu.memory_space<vmem>>
      %dma_wait3A_111 = arith.constant 0 : i32
      %dma_wait3A_112 = arith.constant 0 : i32
      %dma_wait3A_113 = tpu.memref_slice %arg3[%dma_wait3A_111, %dma_wait3A_112] : memref<1000000x64xf32, #tpu.memory_space<hbm>> -> memref<1000000x64xf32, #tpu.memory_space<hbm>>
      tpu.wait_indirect_dma semaphore(%arg19 : memref<!tpu.dma_semaphore, #tpu.memory_space<semaphore_mem>>) src(%dma_wait3A_113 : memref<1000000x64xf32, #tpu.memory_space<hbm>>) dst(%arg9 : memref<128x64xf32, #tpu.memory_space<vmem>>)
      %gt3A_114 = arith.constant 0 : i32
      %gt3A_115 = arith.cmpi sgt, %scan3A_74, %gt3A_114 : i32
      %convert_element_type3A_116 = arith.extui %gt3A_115 : i1 to i32
      %cond3A_117 = arith.constant 0 : i32
      %cond3A_118 = arith.cmpi ne, %convert_element_type3A_116, %cond3A_117 : i32
      scf.if %cond3A_118 {
        %sub3A = arith.constant 5 : i32
        %sub3A_241 = arith.subi %add3A_107, %sub3A : i32
        %mul3A_242 = arith.constant 128 : i32
        %mul3A_243 = arith.muli %sub3A_241, %mul3A_242 : i32
        %add3A_244 = arith.addi %mul3A_2, %mul3A_243 : i32
        %dma_wait3A_245 = arith.constant 0 : i32
        %dma_wait3A_246 = tpu.memref_slice %arg5[%add3A_244, %dma_wait3A_245] : memref<819200x128xf32, #tpu.memory_space<hbm>> -> memref<128x64xf32, #tpu.memory_space<hbm>>
        %dma_wait3A_247 = arith.constant 0 : i32
        %dma_wait3A_248 = tpu.memref_slice %arg5[%add3A_244, %dma_wait3A_247] : memref<819200x128xf32, #tpu.memory_space<hbm>> -> memref<128x64xf32, #tpu.memory_space<hbm>>
        tpu.wait_dma2 semaphore(%arg24 : memref<!tpu.dma_semaphore, #tpu.memory_space<semaphore_mem>>) src(%arg14 : memref<128x64xf32, #tpu.memory_space<vmem>>) dst(%dma_wait3A_248 : memref<128x64xf32, #tpu.memory_space<hbm>>)
      } else {
      }
      %mul3A_119 = arith.constant 128 : i32
      %mul3A_120 = arith.muli %add3A_107, %mul3A_119 : i32
      %rem3A_121 = arith.constant 200 : i32
      %rem3A_122 = arith.remsi %mul3A_120, %rem3A_121 : i32
      %parallel_loop3A_123 = arith.constant 0 : i32
      %parallel_loop3A_124 = arith.constant 128 : i32
      %parallel_loop3A_125 = arith.constant 1 : i32
      scf.for %parallel_loop3A_241 = %parallel_loop3A_123 to %parallel_loop3A_124 step %parallel_loop3A_125  : i32 {
        %parallel_loop3A_242 = arith.index_cast %parallel_loop3A_241 : i32 to index
        %parallel_loop3A_243 = arith.constant 0 : index
        %parallel_loop3A_244 = tpu.vector_load %arg9[%parallel_loop3A_242, %parallel_loop3A_243] {strides = array<i32>} : memref<128x64xf32, #tpu.memory_space<vmem>>, vector<1x16xf32>,
        %parallel_loop3A_245 = vector.shape_cast %parallel_loop3A_244 : vector<1x16xf32> to vector<16xf32>
        %parallel_loop3A_246 = arith.addi %rem3A_122, %parallel_loop3A_241 : i32
        %parallel_loop3A_247 = arith.index_cast %parallel_loop3A_246 : i32 to index
        %parallel_loop3A_248 = arith.constant 0 : index
        %parallel_loop3A_249 = tpu.vector_load %arg7[%parallel_loop3A_247, %parallel_loop3A_248] {strides = array<i32>} : memref<320x64xf32, #tpu.memory_space<vmem>>, vector<1x16xf32>,
        %parallel_loop3A_250 = vector.shape_cast %parallel_loop3A_249 : vector<1x16xf32> to vector<16xf32>
        %parallel_loop3A_251 = arith.addf %parallel_loop3A_245, %parallel_loop3A_250 : vector<16xf32>
        %parallel_loop3A_252 = arith.index_cast %parallel_loop3A_241 : i32 to index
        %parallel_loop3A_253 = arith.constant 0 : index
        %parallel_loop3A_254 = tpu.vector_load %arg14[%parallel_loop3A_252, %parallel_loop3A_253] {strides = array<i32>} : memref<128x64xf32, #tpu.memory_space<vmem>>, vector<1x16xf32>,
        %parallel_loop3A_255 = vector.shape_cast %parallel_loop3A_254 : vector<1x16xf32> to vector<16xf32>
        %parallel_loop3A_256 = vector.shape_cast %parallel_loop3A_251 : vector<16xf32> to vector<1x16xf32>
        tpu.vector_store %arg14[%parallel_loop3A_252, %parallel_loop3A_253], %parallel_loop3A_256 {strides = array<i32>} : memref<128x64xf32, #tpu.memory_space<vmem>>, vector<1x16xf32>,
        %parallel_loop3A_257 = arith.index_cast %parallel_loop3A_241 : i32 to index
        %parallel_loop3A_258 = arith.constant 16 : index
        %parallel_loop3A_259 = tpu.vector_load %arg9[%parallel_loop3A_257, %parallel_loop3A_258] {strides = array<i32>} : memref<128x64xf32, #tpu.memory_space<vmem>>, vector<1x16xf32>,
        %parallel_loop3A_260 = vector.shape_cast %parallel_loop3A_259 : vector<1x16xf32> to vector<16xf32>
        %parallel_loop3A_261 = arith.addi %rem3A_122, %parallel_loop3A_241 : i32
        %parallel_loop3A_262 = arith.index_cast %parallel_loop3A_261 : i32 to index
        %parallel_loop3A_263 = arith.constant 16 : index
        %parallel_loop3A_264 = tpu.vector_load %arg7[%parallel_loop3A_262, %parallel_loop3A_263] {strides = array<i32>} : memref<320x64xf32, #tpu.memory_space<vmem>>, vector<1x16xf32>,
        %parallel_loop3A_265 = vector.shape_cast %parallel_loop3A_264 : vector<1x16xf32> to vector<16xf32>
        %parallel_loop3A_266 = arith.addf %parallel_loop3A_260, %parallel_loop3A_265 : vector<16xf32>
        %parallel_loop3A_267 = arith.index_cast %parallel_loop3A_241 : i32 to index
        %parallel_loop3A_268 = arith.constant 16 : index
        %parallel_loop3A_269 = tpu.vector_load %arg14[%parallel_loop3A_267, %parallel_loop3A_268] {strides = array<i32>} : memref<128x64xf32, #tpu.memory_space<vmem>>, vector<1x16xf32>,
        %parallel_loop3A_270 = vector.shape_cast %parallel_loop3A_269 : vector<1x16xf32> to vector<16xf32>
        %parallel_loop3A_271 = vector.shape_cast %parallel_loop3A_266 : vector<16xf32> to vector<1x16xf32>
        tpu.vector_store %arg14[%parallel_loop3A_267, %parallel_loop3A_268], %parallel_loop3A_271 {strides = array<i32>} : memref<128x64xf32, #tpu.memory_space<vmem>>, vector<1x16xf32>,
        %parallel_loop3A_272 = arith.index_cast %parallel_loop3A_241 : i32 to index
        %parallel_loop3A_273 = arith.constant 32 : index
        %parallel_loop3A_274 = tpu.vector_load %arg9[%parallel_loop3A_272, %parallel_loop3A_273] {strides = array<i32>} : memref<128x64xf32, #tpu.memory_space<vmem>>, vector<1x16xf32>,
        %parallel_loop3A_275 = vector.shape_cast %parallel_loop3A_274 : vector<1x16xf32> to vector<16xf32>
        %parallel_loop3A_276 = arith.addi %rem3A_122, %parallel_loop3A_241 : i32
        %parallel_loop3A_277 = arith.index_cast %parallel_loop3A_276 : i32 to index
        %parallel_loop3A_278 = arith.constant 32 : index
        %parallel_loop3A_279 = tpu.vector_load %arg7[%parallel_loop3A_277, %parallel_loop3A_278] {strides = array<i32>} : memref<320x64xf32, #tpu.memory_space<vmem>>, vector<1x16xf32>,
        %parallel_loop3A_280 = vector.shape_cast %parallel_loop3A_279 : vector<1x16xf32> to vector<16xf32>
        %parallel_loop3A_281 = arith.addf %parallel_loop3A_275, %parallel_loop3A_280 : vector<16xf32>
        %parallel_loop3A_282 = arith.index_cast %parallel_loop3A_241 : i32 to index
        %parallel_loop3A_283 = arith.constant 32 : index
        %parallel_loop3A_284 = tpu.vector_load %arg14[%parallel_loop3A_282, %parallel_loop3A_283] {strides = array<i32>} : memref<128x64xf32, #tpu.memory_space<vmem>>, vector<1x16xf32>,
        %parallel_loop3A_285 = vector.shape_cast %parallel_loop3A_284 : vector<1x16xf32> to vector<16xf32>
        %parallel_loop3A_286 = vector.shape_cast %parallel_loop3A_281 : vector<16xf32> to vector<1x16xf32>
        tpu.vector_store %arg14[%parallel_loop3A_282, %parallel_loop3A_283], %parallel_loop3A_286 {strides = array<i32>} : memref<128x64xf32, #tpu.memory_space<vmem>>, vector<1x16xf32>,
        %parallel_loop3A_287 = arith.index_cast %parallel_loop3A_241 : i32 to index
        %parallel_loop3A_288 = arith.constant 48 : index
        %parallel_loop3A_289 = tpu.vector_load %arg9[%parallel_loop3A_287, %parallel_loop3A_288] {strides = array<i32>} : memref<128x64xf32, #tpu.memory_space<vmem>>, vector<1x16xf32>,
        %parallel_loop3A_290 = vector.shape_cast %parallel_loop3A_289 : vector<1x16xf32> to vector<16xf32>
        %parallel_loop3A_291 = arith.addi %rem3A_122, %parallel_loop3A_241 : i32
        %parallel_loop3A_292 = arith.index_cast %parallel_loop3A_291 : i32 to index
        %parallel_loop3A_293 = arith.constant 48 : index
        %parallel_loop3A_294 = tpu.vector_load %arg7[%parallel_loop3A_292, %parallel_loop3A_293] {strides = array<i32>} : memref<320x64xf32, #tpu.memory_space<vmem>>, vector<1x16xf32>,
        %parallel_loop3A_295 = vector.shape_cast %parallel_loop3A_294 : vector<1x16xf32> to vector<16xf32>
        %parallel_loop3A_296 = arith.addf %parallel_loop3A_290, %parallel_loop3A_295 : vector<16xf32>
        %parallel_loop3A_297 = arith.index_cast %parallel_loop3A_241 : i32 to index
        %parallel_loop3A_298 = arith.constant 48 : index
        %parallel_loop3A_299 = tpu.vector_load %arg14[%parallel_loop3A_297, %parallel_loop3A_298] {strides = array<i32>} : memref<128x64xf32, #tpu.memory_space<vmem>>, vector<1x16xf32>,
        %parallel_loop3A_300 = vector.shape_cast %parallel_loop3A_299 : vector<1x16xf32> to vector<16xf32>
        %parallel_loop3A_301 = vector.shape_cast %parallel_loop3A_296 : vector<16xf32> to vector<1x16xf32>
        tpu.vector_store %arg14[%parallel_loop3A_297, %parallel_loop3A_298], %parallel_loop3A_301 {strides = array<i32>} : memref<128x64xf32, #tpu.memory_space<vmem>>, vector<1x16xf32>,
      } {sc.loop_unroll_factor = 8 : i64, sc.parallel_access}
      %mul3A_126 = arith.constant 128 : i32
      %mul3A_127 = arith.muli %add3A_107, %mul3A_126 : i32
      %add3A_128 = arith.addi %mul3A_2, %mul3A_127 : i32
      %dma_start3A_129 = arith.constant 0 : i32
      %dma_start3A_130 = tpu.memref_slice %arg5[%add3A_128, %dma_start3A_129] : memref<819200x128xf32, #tpu.memory_space<hbm>> -> memref<128x64xf32, #tpu.memory_space<hbm>>
      %dma_start3A_131 = arith.constant 0 : i32
      %dma_start3A_132 = tpu.memref_slice %arg5[%add3A_128, %dma_start3A_131] : memref<819200x128xf32, #tpu.memory_space<hbm>> -> memref<128x64xf32, #tpu.memory_space<hbm>>
      tpu.enqueue_dma source(%arg14 : memref<128x64xf32, #tpu.memory_space<vmem>>) target(%dma_start3A_132 : memref<128x64xf32, #tpu.memory_space<hbm>>) target_semaphore(%arg24 : memref<!tpu.dma_semaphore, #tpu.memory_space<semaphore_mem>>)
      %lt3A_133 = arith.constant 39 : i32
      %lt3A_134 = arith.cmpi slt, %scan3A_74, %lt3A_133 : i32
      %convert_element_type3A_135 = arith.extui %lt3A_134 : i1 to i32
      %cond3A_136 = arith.constant 0 : i32
      %cond3A_137 = arith.cmpi ne, %convert_element_type3A_135, %cond3A_136 : i32
      scf.if %cond3A_137 {
        %add3A_241 = arith.constant 5 : i32
        %add3A_242 = arith.addi %add3A_107, %add3A_241 : i32
        %dma_start3A_243 = arith.constant 0 : i32
        %dma_start3A_244 = tpu.memref_slice %arg6[%add3A_242, %dma_start3A_243] : memref<200x128xi32, #tpu.memory_space<vmem>> -> memref<1x128xi32, #tpu.memory_space<vmem>>
        %dma_start3A_245 = tpu.memref_squeeze %dma_start3A_244 : memref<1x128xi32, #tpu.memory_space<vmem>> -> memref<128xi32, #tpu.memory_space<vmem>>
        %dma_start3A_246 = arith.constant 0 : i32
        %dma_start3A_247 = arith.constant 0 : i32
        %dma_start3A_248 = tpu.memref_slice %arg3[%dma_start3A_246, %dma_start3A_247] : memref<1000000x64xf32, #tpu.memory_space<hbm>> -> memref<1000000x64xf32, #tpu.memory_space<hbm>>
        tpu.enqueue_indirect_dma source(%dma_start3A_248 : memref<1000000x64xf32, #tpu.memory_space<hbm>>) target(%arg9 : memref<128x64xf32, #tpu.memory_space<vmem>>) offsets(%dma_start3A_245 : memref<128xi32, #tpu.memory_space<vmem>>) semaphore(%arg19 : memref<!tpu.dma_semaphore, #tpu.memory_space<semaphore_mem>>)
      } else {
      }
      %mul3A_138 = arith.constant 5 : i32
      %mul3A_139 = arith.muli %mul3A_138, %scan3A_74 : i32
      %add3A_140 = arith.constant 2 : i32
      %add3A_141 = arith.addi %mul3A_139, %add3A_140 : i32
      %dma_wait3A_142 = arith.constant 0 : i32
      %dma_wait3A_143 = tpu.memref_slice %arg6[%add3A_141, %dma_wait3A_142] : memref<200x128xi32, #tpu.memory_space<vmem>> -> memref<1x128xi32, #tpu.memory_space<vmem>>
      %dma_wait3A_144 = tpu.memref_squeeze %dma_wait3A_143 : memref<1x128xi32, #tpu.memory_space<vmem>> -> memref<128xi32, #tpu.memory_space<vmem>>
      %dma_wait3A_145 = arith.constant 0 : i32
      %dma_wait3A_146 = arith.constant 0 : i32
      %dma_wait3A_147 = tpu.memref_slice %arg3[%dma_wait3A_145, %dma_wait3A_146] : memref<1000000x64xf32, #tpu.memory_space<hbm>> -> memref<1000000x64xf32, #tpu.memory_space<hbm>>
      tpu.wait_indirect_dma semaphore(%arg20 : memref<!tpu.dma_semaphore, #tpu.memory_space<semaphore_mem>>) src(%dma_wait3A_147 : memref<1000000x64xf32, #tpu.memory_space<hbm>>) dst(%arg10 : memref<128x64xf32, #tpu.memory_space<vmem>>)
      %gt3A_148 = arith.constant 0 : i32
      %gt3A_149 = arith.cmpi sgt, %scan3A_74, %gt3A_148 : i32
      %convert_element_type3A_150 = arith.extui %gt3A_149 : i1 to i32
      %cond3A_151 = arith.constant 0 : i32
      %cond3A_152 = arith.cmpi ne, %convert_element_type3A_150, %cond3A_151 : i32
      scf.if %cond3A_152 {
        %sub3A = arith.constant 5 : i32
        %sub3A_241 = arith.subi %add3A_141, %sub3A : i32
        %mul3A_242 = arith.constant 128 : i32
        %mul3A_243 = arith.muli %sub3A_241, %mul3A_242 : i32
        %add3A_244 = arith.addi %mul3A_2, %mul3A_243 : i32
        %dma_wait3A_245 = arith.constant 0 : i32
        %dma_wait3A_246 = tpu.memref_slice %arg5[%add3A_244, %dma_wait3A_245] : memref<819200x128xf32, #tpu.memory_space<hbm>> -> memref<128x64xf32, #tpu.memory_space<hbm>>
        %dma_wait3A_247 = arith.constant 0 : i32
        %dma_wait3A_248 = tpu.memref_slice %arg5[%add3A_244, %dma_wait3A_247] : memref<819200x128xf32, #tpu.memory_space<hbm>> -> memref<128x64xf32, #tpu.memory_space<hbm>>
        tpu.wait_dma2 semaphore(%arg25 : memref<!tpu.dma_semaphore, #tpu.memory_space<semaphore_mem>>) src(%arg15 : memref<128x64xf32, #tpu.memory_space<vmem>>) dst(%dma_wait3A_248 : memref<128x64xf32, #tpu.memory_space<hbm>>)
      } else {
      }
      %mul3A_153 = arith.constant 128 : i32
      %mul3A_154 = arith.muli %add3A_141, %mul3A_153 : i32
      %rem3A_155 = arith.constant 200 : i32
      %rem3A_156 = arith.remsi %mul3A_154, %rem3A_155 : i32
      %parallel_loop3A_157 = arith.constant 0 : i32
      %parallel_loop3A_158 = arith.constant 128 : i32
      %parallel_loop3A_159 = arith.constant 1 : i32
      scf.for %parallel_loop3A_241 = %parallel_loop3A_157 to %parallel_loop3A_158 step %parallel_loop3A_159  : i32 {
        %parallel_loop3A_242 = arith.index_cast %parallel_loop3A_241 : i32 to index
        %parallel_loop3A_243 = arith.constant 0 : index
        %parallel_loop3A_244 = tpu.vector_load %arg10[%parallel_loop3A_242, %parallel_loop3A_243] {strides = array<i32>} : memref<128x64xf32, #tpu.memory_space<vmem>>, vector<1x16xf32>,
        %parallel_loop3A_245 = vector.shape_cast %parallel_loop3A_244 : vector<1x16xf32> to vector<16xf32>
        %parallel_loop3A_246 = arith.addi %rem3A_156, %parallel_loop3A_241 : i32
        %parallel_loop3A_247 = arith.index_cast %parallel_loop3A_246 : i32 to index
        %parallel_loop3A_248 = arith.constant 0 : index
        %parallel_loop3A_249 = tpu.vector_load %arg7[%parallel_loop3A_247, %parallel_loop3A_248] {strides = array<i32>} : memref<320x64xf32, #tpu.memory_space<vmem>>, vector<1x16xf32>,
        %parallel_loop3A_250 = vector.shape_cast %parallel_loop3A_249 : vector<1x16xf32> to vector<16xf32>
        %parallel_loop3A_251 = arith.addf %parallel_loop3A_245, %parallel_loop3A_250 : vector<16xf32>
        %parallel_loop3A_252 = arith.index_cast %parallel_loop3A_241 : i32 to index
        %parallel_loop3A_253 = arith.constant 0 : index
        %parallel_loop3A_254 = tpu.vector_load %arg15[%parallel_loop3A_252, %parallel_loop3A_253] {strides = array<i32>} : memref<128x64xf32, #tpu.memory_space<vmem>>, vector<1x16xf32>,
        %parallel_loop3A_255 = vector.shape_cast %parallel_loop3A_254 : vector<1x16xf32> to vector<16xf32>
        %parallel_loop3A_256 = vector.shape_cast %parallel_loop3A_251 : vector<16xf32> to vector<1x16xf32>
        tpu.vector_store %arg15[%parallel_loop3A_252, %parallel_loop3A_253], %parallel_loop3A_256 {strides = array<i32>} : memref<128x64xf32, #tpu.memory_space<vmem>>, vector<1x16xf32>,
        %parallel_loop3A_257 = arith.index_cast %parallel_loop3A_241 : i32 to index
        %parallel_loop3A_258 = arith.constant 16 : index
        %parallel_loop3A_259 = tpu.vector_load %arg10[%parallel_loop3A_257, %parallel_loop3A_258] {strides = array<i32>} : memref<128x64xf32, #tpu.memory_space<vmem>>, vector<1x16xf32>,
        %parallel_loop3A_260 = vector.shape_cast %parallel_loop3A_259 : vector<1x16xf32> to vector<16xf32>
        %parallel_loop3A_261 = arith.addi %rem3A_156, %parallel_loop3A_241 : i32
        %parallel_loop3A_262 = arith.index_cast %parallel_loop3A_261 : i32 to index
        %parallel_loop3A_263 = arith.constant 16 : index
        %parallel_loop3A_264 = tpu.vector_load %arg7[%parallel_loop3A_262, %parallel_loop3A_263] {strides = array<i32>} : memref<320x64xf32, #tpu.memory_space<vmem>>, vector<1x16xf32>,
        %parallel_loop3A_265 = vector.shape_cast %parallel_loop3A_264 : vector<1x16xf32> to vector<16xf32>
        %parallel_loop3A_266 = arith.addf %parallel_loop3A_260, %parallel_loop3A_265 : vector<16xf32>
        %parallel_loop3A_267 = arith.index_cast %parallel_loop3A_241 : i32 to index
        %parallel_loop3A_268 = arith.constant 16 : index
        %parallel_loop3A_269 = tpu.vector_load %arg15[%parallel_loop3A_267, %parallel_loop3A_268] {strides = array<i32>} : memref<128x64xf32, #tpu.memory_space<vmem>>, vector<1x16xf32>,
        %parallel_loop3A_270 = vector.shape_cast %parallel_loop3A_269 : vector<1x16xf32> to vector<16xf32>
        %parallel_loop3A_271 = vector.shape_cast %parallel_loop3A_266 : vector<16xf32> to vector<1x16xf32>
        tpu.vector_store %arg15[%parallel_loop3A_267, %parallel_loop3A_268], %parallel_loop3A_271 {strides = array<i32>} : memref<128x64xf32, #tpu.memory_space<vmem>>, vector<1x16xf32>,
        %parallel_loop3A_272 = arith.index_cast %parallel_loop3A_241 : i32 to index
        %parallel_loop3A_273 = arith.constant 32 : index
        %parallel_loop3A_274 = tpu.vector_load %arg10[%parallel_loop3A_272, %parallel_loop3A_273] {strides = array<i32>} : memref<128x64xf32, #tpu.memory_space<vmem>>, vector<1x16xf32>,
        %parallel_loop3A_275 = vector.shape_cast %parallel_loop3A_274 : vector<1x16xf32> to vector<16xf32>
        %parallel_loop3A_276 = arith.addi %rem3A_156, %parallel_loop3A_241 : i32
        %parallel_loop3A_277 = arith.index_cast %parallel_loop3A_276 : i32 to index
        %parallel_loop3A_278 = arith.constant 32 : index
        %parallel_loop3A_279 = tpu.vector_load %arg7[%parallel_loop3A_277, %parallel_loop3A_278] {strides = array<i32>} : memref<320x64xf32, #tpu.memory_space<vmem>>, vector<1x16xf32>,
        %parallel_loop3A_280 = vector.shape_cast %parallel_loop3A_279 : vector<1x16xf32> to vector<16xf32>
        %parallel_loop3A_281 = arith.addf %parallel_loop3A_275, %parallel_loop3A_280 : vector<16xf32>
        %parallel_loop3A_282 = arith.index_cast %parallel_loop3A_241 : i32 to index
        %parallel_loop3A_283 = arith.constant 32 : index
        %parallel_loop3A_284 = tpu.vector_load %arg15[%parallel_loop3A_282, %parallel_loop3A_283] {strides = array<i32>} : memref<128x64xf32, #tpu.memory_space<vmem>>, vector<1x16xf32>,
        %parallel_loop3A_285 = vector.shape_cast %parallel_loop3A_284 : vector<1x16xf32> to vector<16xf32>
        %parallel_loop3A_286 = vector.shape_cast %parallel_loop3A_281 : vector<16xf32> to vector<1x16xf32>
        tpu.vector_store %arg15[%parallel_loop3A_282, %parallel_loop3A_283], %parallel_loop3A_286 {strides = array<i32>} : memref<128x64xf32, #tpu.memory_space<vmem>>, vector<1x16xf32>,
        %parallel_loop3A_287 = arith.index_cast %parallel_loop3A_241 : i32 to index
        %parallel_loop3A_288 = arith.constant 48 : index
        %parallel_loop3A_289 = tpu.vector_load %arg10[%parallel_loop3A_287, %parallel_loop3A_288] {strides = array<i32>} : memref<128x64xf32, #tpu.memory_space<vmem>>, vector<1x16xf32>,
        %parallel_loop3A_290 = vector.shape_cast %parallel_loop3A_289 : vector<1x16xf32> to vector<16xf32>
        %parallel_loop3A_291 = arith.addi %rem3A_156, %parallel_loop3A_241 : i32
        %parallel_loop3A_292 = arith.index_cast %parallel_loop3A_291 : i32 to index
        %parallel_loop3A_293 = arith.constant 48 : index
        %parallel_loop3A_294 = tpu.vector_load %arg7[%parallel_loop3A_292, %parallel_loop3A_293] {strides = array<i32>} : memref<320x64xf32, #tpu.memory_space<vmem>>, vector<1x16xf32>,
        %parallel_loop3A_295 = vector.shape_cast %parallel_loop3A_294 : vector<1x16xf32> to vector<16xf32>
        %parallel_loop3A_296 = arith.addf %parallel_loop3A_290, %parallel_loop3A_295 : vector<16xf32>
        %parallel_loop3A_297 = arith.index_cast %parallel_loop3A_241 : i32 to index
        %parallel_loop3A_298 = arith.constant 48 : index
        %parallel_loop3A_299 = tpu.vector_load %arg15[%parallel_loop3A_297, %parallel_loop3A_298] {strides = array<i32>} : memref<128x64xf32, #tpu.memory_space<vmem>>, vector<1x16xf32>,
        %parallel_loop3A_300 = vector.shape_cast %parallel_loop3A_299 : vector<1x16xf32> to vector<16xf32>
        %parallel_loop3A_301 = vector.shape_cast %parallel_loop3A_296 : vector<16xf32> to vector<1x16xf32>
        tpu.vector_store %arg15[%parallel_loop3A_297, %parallel_loop3A_298], %parallel_loop3A_301 {strides = array<i32>} : memref<128x64xf32, #tpu.memory_space<vmem>>, vector<1x16xf32>,
      } {sc.loop_unroll_factor = 8 : i64, sc.parallel_access}
      %mul3A_160 = arith.constant 128 : i32
      %mul3A_161 = arith.muli %add3A_141, %mul3A_160 : i32
      %add3A_162 = arith.addi %mul3A_2, %mul3A_161 : i32
      %dma_start3A_163 = arith.constant 0 : i32
      %dma_start3A_164 = tpu.memref_slice %arg5[%add3A_162, %dma_start3A_163] : memref<819200x128xf32, #tpu.memory_space<hbm>> -> memref<128x64xf32, #tpu.memory_space<hbm>>
      %dma_start3A_165 = arith.constant 0 : i32
      %dma_start3A_166 = tpu.memref_slice %arg5[%add3A_162, %dma_start3A_165] : memref<819200x128xf32, #tpu.memory_space<hbm>> -> memref<128x64xf32, #tpu.memory_space<hbm>>
      tpu.enqueue_dma source(%arg15 : memref<128x64xf32, #tpu.memory_space<vmem>>) target(%dma_start3A_166 : memref<128x64xf32, #tpu.memory_space<hbm>>) target_semaphore(%arg25 : memref<!tpu.dma_semaphore, #tpu.memory_space<semaphore_mem>>)
      %lt3A_167 = arith.constant 39 : i32
      %lt3A_168 = arith.cmpi slt, %scan3A_74, %lt3A_167 : i32
      %convert_element_type3A_169 = arith.extui %lt3A_168 : i1 to i32
      %cond3A_170 = arith.constant 0 : i32
      %cond3A_171 = arith.cmpi ne, %convert_element_type3A_169, %cond3A_170 : i32
      scf.if %cond3A_171 {
        %add3A_241 = arith.constant 5 : i32
        %add3A_242 = arith.addi %add3A_141, %add3A_241 : i32
        %dma_start3A_243 = arith.constant 0 : i32
        %dma_start3A_244 = tpu.memref_slice %arg6[%add3A_242, %dma_start3A_243] : memref<200x128xi32, #tpu.memory_space<vmem>> -> memref<1x128xi32, #tpu.memory_space<vmem>>
        %dma_start3A_245 = tpu.memref_squeeze %dma_start3A_244 : memref<1x128xi32, #tpu.memory_space<vmem>> -> memref<128xi32, #tpu.memory_space<vmem>>
        %dma_start3A_246 = arith.constant 0 : i32
        %dma_start3A_247 = arith.constant 0 : i32
        %dma_start3A_248 = tpu.memref_slice %arg3[%dma_start3A_246, %dma_start3A_247] : memref<1000000x64xf32, #tpu.memory_space<hbm>> -> memref<1000000x64xf32, #tpu.memory_space<hbm>>
        tpu.enqueue_indirect_dma source(%dma_start3A_248 : memref<1000000x64xf32, #tpu.memory_space<hbm>>) target(%arg10 : memref<128x64xf32, #tpu.memory_space<vmem>>) offsets(%dma_start3A_245 : memref<128xi32, #tpu.memory_space<vmem>>) semaphore(%arg20 : memref<!tpu.dma_semaphore, #tpu.memory_space<semaphore_mem>>)
      } else {
      }
      %mul3A_172 = arith.constant 5 : i32
      %mul3A_173 = arith.muli %mul3A_172, %scan3A_74 : i32
      %add3A_174 = arith.constant 3 : i32
      %add3A_175 = arith.addi %mul3A_173, %add3A_174 : i32
      %dma_wait3A_176 = arith.constant 0 : i32
      %dma_wait3A_177 = tpu.memref_slice %arg6[%add3A_175, %dma_wait3A_176] : memref<200x128xi32, #tpu.memory_space<vmem>> -> memref<1x128xi32, #tpu.memory_space<vmem>>
      %dma_wait3A_178 = tpu.memref_squeeze %dma_wait3A_177 : memref<1x128xi32, #tpu.memory_space<vmem>> -> memref<128xi32, #tpu.memory_space<vmem>>
      %dma_wait3A_179 = arith.constant 0 : i32
      %dma_wait3A_180 = arith.constant 0 : i32
      %dma_wait3A_181 = tpu.memref_slice %arg3[%dma_wait3A_179, %dma_wait3A_180] : memref<1000000x64xf32, #tpu.memory_space<hbm>> -> memref<1000000x64xf32, #tpu.memory_space<hbm>>
      tpu.wait_indirect_dma semaphore(%arg21 : memref<!tpu.dma_semaphore, #tpu.memory_space<semaphore_mem>>) src(%dma_wait3A_181 : memref<1000000x64xf32, #tpu.memory_space<hbm>>) dst(%arg11 : memref<128x64xf32, #tpu.memory_space<vmem>>)
      %gt3A_182 = arith.constant 0 : i32
      %gt3A_183 = arith.cmpi sgt, %scan3A_74, %gt3A_182 : i32
      %convert_element_type3A_184 = arith.extui %gt3A_183 : i1 to i32
      %cond3A_185 = arith.constant 0 : i32
      %cond3A_186 = arith.cmpi ne, %convert_element_type3A_184, %cond3A_185 : i32
      scf.if %cond3A_186 {
        %sub3A = arith.constant 5 : i32
        %sub3A_241 = arith.subi %add3A_175, %sub3A : i32
        %mul3A_242 = arith.constant 128 : i32
        %mul3A_243 = arith.muli %sub3A_241, %mul3A_242 : i32
        %add3A_244 = arith.addi %mul3A_2, %mul3A_243 : i32
        %dma_wait3A_245 = arith.constant 0 : i32
        %dma_wait3A_246 = tpu.memref_slice %arg5[%add3A_244, %dma_wait3A_245] : memref<819200x128xf32, #tpu.memory_space<hbm>> -> memref<128x64xf32, #tpu.memory_space<hbm>>
        %dma_wait3A_247 = arith.constant 0 : i32
        %dma_wait3A_248 = tpu.memref_slice %arg5[%add3A_244, %dma_wait3A_247] : memref<819200x128xf32, #tpu.memory_space<hbm>> -> memref<128x64xf32, #tpu.memory_space<hbm>>
        tpu.wait_dma2 semaphore(%arg26 : memref<!tpu.dma_semaphore, #tpu.memory_space<semaphore_mem>>) src(%arg16 : memref<128x64xf32, #tpu.memory_space<vmem>>) dst(%dma_wait3A_248 : memref<128x64xf32, #tpu.memory_space<hbm>>)
      } else {
      }
      %mul3A_187 = arith.constant 128 : i32
      %mul3A_188 = arith.muli %add3A_175, %mul3A_187 : i32
      %rem3A_189 = arith.constant 200 : i32
      %rem3A_190 = arith.remsi %mul3A_188, %rem3A_189 : i32
      %parallel_loop3A_191 = arith.constant 0 : i32
      %parallel_loop3A_192 = arith.constant 128 : i32
      %parallel_loop3A_193 = arith.constant 1 : i32
      scf.for %parallel_loop3A_241 = %parallel_loop3A_191 to %parallel_loop3A_192 step %parallel_loop3A_193  : i32 {
        %parallel_loop3A_242 = arith.index_cast %parallel_loop3A_241 : i32 to index
        %parallel_loop3A_243 = arith.constant 0 : index
        %parallel_loop3A_244 = tpu.vector_load %arg11[%parallel_loop3A_242, %parallel_loop3A_243] {strides = array<i32>} : memref<128x64xf32, #tpu.memory_space<vmem>>, vector<1x16xf32>,
        %parallel_loop3A_245 = vector.shape_cast %parallel_loop3A_244 : vector<1x16xf32> to vector<16xf32>
        %parallel_loop3A_246 = arith.addi %rem3A_190, %parallel_loop3A_241 : i32
        %parallel_loop3A_247 = arith.index_cast %parallel_loop3A_246 : i32 to index
        %parallel_loop3A_248 = arith.constant 0 : index
        %parallel_loop3A_249 = tpu.vector_load %arg7[%parallel_loop3A_247, %parallel_loop3A_248] {strides = array<i32>} : memref<320x64xf32, #tpu.memory_space<vmem>>, vector<1x16xf32>,
        %parallel_loop3A_250 = vector.shape_cast %parallel_loop3A_249 : vector<1x16xf32> to vector<16xf32>
        %parallel_loop3A_251 = arith.addf %parallel_loop3A_245, %parallel_loop3A_250 : vector<16xf32>
        %parallel_loop3A_252 = arith.index_cast %parallel_loop3A_241 : i32 to index
        %parallel_loop3A_253 = arith.constant 0 : index
        %parallel_loop3A_254 = tpu.vector_load %arg16[%parallel_loop3A_252, %parallel_loop3A_253] {strides = array<i32>} : memref<128x64xf32, #tpu.memory_space<vmem>>, vector<1x16xf32>,
        %parallel_loop3A_255 = vector.shape_cast %parallel_loop3A_254 : vector<1x16xf32> to vector<16xf32>
        %parallel_loop3A_256 = vector.shape_cast %parallel_loop3A_251 : vector<16xf32> to vector<1x16xf32>
        tpu.vector_store %arg16[%parallel_loop3A_252, %parallel_loop3A_253], %parallel_loop3A_256 {strides = array<i32>} : memref<128x64xf32, #tpu.memory_space<vmem>>, vector<1x16xf32>,
        %parallel_loop3A_257 = arith.index_cast %parallel_loop3A_241 : i32 to index
        %parallel_loop3A_258 = arith.constant 16 : index
        %parallel_loop3A_259 = tpu.vector_load %arg11[%parallel_loop3A_257, %parallel_loop3A_258] {strides = array<i32>} : memref<128x64xf32, #tpu.memory_space<vmem>>, vector<1x16xf32>,
        %parallel_loop3A_260 = vector.shape_cast %parallel_loop3A_259 : vector<1x16xf32> to vector<16xf32>
        %parallel_loop3A_261 = arith.addi %rem3A_190, %parallel_loop3A_241 : i32
        %parallel_loop3A_262 = arith.index_cast %parallel_loop3A_261 : i32 to index
        %parallel_loop3A_263 = arith.constant 16 : index
        %parallel_loop3A_264 = tpu.vector_load %arg7[%parallel_loop3A_262, %parallel_loop3A_263] {strides = array<i32>} : memref<320x64xf32, #tpu.memory_space<vmem>>, vector<1x16xf32>,
        %parallel_loop3A_265 = vector.shape_cast %parallel_loop3A_264 : vector<1x16xf32> to vector<16xf32>
        %parallel_loop3A_266 = arith.addf %parallel_loop3A_260, %parallel_loop3A_265 : vector<16xf32>
        %parallel_loop3A_267 = arith.index_cast %parallel_loop3A_241 : i32 to index
        %parallel_loop3A_268 = arith.constant 16 : index
        %parallel_loop3A_269 = tpu.vector_load %arg16[%parallel_loop3A_267, %parallel_loop3A_268] {strides = array<i32>} : memref<128x64xf32, #tpu.memory_space<vmem>>, vector<1x16xf32>,
        %parallel_loop3A_270 = vector.shape_cast %parallel_loop3A_269 : vector<1x16xf32> to vector<16xf32>
        %parallel_loop3A_271 = vector.shape_cast %parallel_loop3A_266 : vector<16xf32> to vector<1x16xf32>
        tpu.vector_store %arg16[%parallel_loop3A_267, %parallel_loop3A_268], %parallel_loop3A_271 {strides = array<i32>} : memref<128x64xf32, #tpu.memory_space<vmem>>, vector<1x16xf32>,
        %parallel_loop3A_272 = arith.index_cast %parallel_loop3A_241 : i32 to index
        %parallel_loop3A_273 = arith.constant 32 : index
        %parallel_loop3A_274 = tpu.vector_load %arg11[%parallel_loop3A_272, %parallel_loop3A_273] {strides = array<i32>} : memref<128x64xf32, #tpu.memory_space<vmem>>, vector<1x16xf32>,
        %parallel_loop3A_275 = vector.shape_cast %parallel_loop3A_274 : vector<1x16xf32> to vector<16xf32>
        %parallel_loop3A_276 = arith.addi %rem3A_190, %parallel_loop3A_241 : i32
        %parallel_loop3A_277 = arith.index_cast %parallel_loop3A_276 : i32 to index
        %parallel_loop3A_278 = arith.constant 32 : index
        %parallel_loop3A_279 = tpu.vector_load %arg7[%parallel_loop3A_277, %parallel_loop3A_278] {strides = array<i32>} : memref<320x64xf32, #tpu.memory_space<vmem>>, vector<1x16xf32>,
        %parallel_loop3A_280 = vector.shape_cast %parallel_loop3A_279 : vector<1x16xf32> to vector<16xf32>
        %parallel_loop3A_281 = arith.addf %parallel_loop3A_275, %parallel_loop3A_280 : vector<16xf32>
        %parallel_loop3A_282 = arith.index_cast %parallel_loop3A_241 : i32 to index
        %parallel_loop3A_283 = arith.constant 32 : index
        %parallel_loop3A_284 = tpu.vector_load %arg16[%parallel_loop3A_282, %parallel_loop3A_283] {strides = array<i32>} : memref<128x64xf32, #tpu.memory_space<vmem>>, vector<1x16xf32>,
        %parallel_loop3A_285 = vector.shape_cast %parallel_loop3A_284 : vector<1x16xf32> to vector<16xf32>
        %parallel_loop3A_286 = vector.shape_cast %parallel_loop3A_281 : vector<16xf32> to vector<1x16xf32>
        tpu.vector_store %arg16[%parallel_loop3A_282, %parallel_loop3A_283], %parallel_loop3A_286 {strides = array<i32>} : memref<128x64xf32, #tpu.memory_space<vmem>>, vector<1x16xf32>,
        %parallel_loop3A_287 = arith.index_cast %parallel_loop3A_241 : i32 to index
        %parallel_loop3A_288 = arith.constant 48 : index
        %parallel_loop3A_289 = tpu.vector_load %arg11[%parallel_loop3A_287, %parallel_loop3A_288] {strides = array<i32>} : memref<128x64xf32, #tpu.memory_space<vmem>>, vector<1x16xf32>,
        %parallel_loop3A_290 = vector.shape_cast %parallel_loop3A_289 : vector<1x16xf32> to vector<16xf32>
        %parallel_loop3A_291 = arith.addi %rem3A_190, %parallel_loop3A_241 : i32
        %parallel_loop3A_292 = arith.index_cast %parallel_loop3A_291 : i32 to index
        %parallel_loop3A_293 = arith.constant 48 : index
        %parallel_loop3A_294 = tpu.vector_load %arg7[%parallel_loop3A_292, %parallel_loop3A_293] {strides = array<i32>} : memref<320x64xf32, #tpu.memory_space<vmem>>, vector<1x16xf32>,
        %parallel_loop3A_295 = vector.shape_cast %parallel_loop3A_294 : vector<1x16xf32> to vector<16xf32>
        %parallel_loop3A_296 = arith.addf %parallel_loop3A_290, %parallel_loop3A_295 : vector<16xf32>
        %parallel_loop3A_297 = arith.index_cast %parallel_loop3A_241 : i32 to index
        %parallel_loop3A_298 = arith.constant 48 : index
        %parallel_loop3A_299 = tpu.vector_load %arg16[%parallel_loop3A_297, %parallel_loop3A_298] {strides = array<i32>} : memref<128x64xf32, #tpu.memory_space<vmem>>, vector<1x16xf32>,
        %parallel_loop3A_300 = vector.shape_cast %parallel_loop3A_299 : vector<1x16xf32> to vector<16xf32>
        %parallel_loop3A_301 = vector.shape_cast %parallel_loop3A_296 : vector<16xf32> to vector<1x16xf32>
        tpu.vector_store %arg16[%parallel_loop3A_297, %parallel_loop3A_298], %parallel_loop3A_301 {strides = array<i32>} : memref<128x64xf32, #tpu.memory_space<vmem>>, vector<1x16xf32>,
      } {sc.loop_unroll_factor = 8 : i64, sc.parallel_access}
      %mul3A_194 = arith.constant 128 : i32
      %mul3A_195 = arith.muli %add3A_175, %mul3A_194 : i32
      %add3A_196 = arith.addi %mul3A_2, %mul3A_195 : i32
      %dma_start3A_197 = arith.constant 0 : i32
      %dma_start3A_198 = tpu.memref_slice %arg5[%add3A_196, %dma_start3A_197] : memref<819200x128xf32, #tpu.memory_space<hbm>> -> memref<128x64xf32, #tpu.memory_space<hbm>>
      %dma_start3A_199 = arith.constant 0 : i32
      %dma_start3A_200 = tpu.memref_slice %arg5[%add3A_196, %dma_start3A_199] : memref<819200x128xf32, #tpu.memory_space<hbm>> -> memref<128x64xf32, #tpu.memory_space<hbm>>
      tpu.enqueue_dma source(%arg16 : memref<128x64xf32, #tpu.memory_space<vmem>>) target(%dma_start3A_200 : memref<128x64xf32, #tpu.memory_space<hbm>>) target_semaphore(%arg26 : memref<!tpu.dma_semaphore, #tpu.memory_space<semaphore_mem>>)
      %lt3A_201 = arith.constant 39 : i32
      %lt3A_202 = arith.cmpi slt, %scan3A_74, %lt3A_201 : i32
      %convert_element_type3A_203 = arith.extui %lt3A_202 : i1 to i32
      %cond3A_204 = arith.constant 0 : i32
      %cond3A_205 = arith.cmpi ne, %convert_element_type3A_203, %cond3A_204 : i32
      scf.if %cond3A_205 {
        %add3A_241 = arith.constant 5 : i32
        %add3A_242 = arith.addi %add3A_175, %add3A_241 : i32
        %dma_start3A_243 = arith.constant 0 : i32
        %dma_start3A_244 = tpu.memref_slice %arg6[%add3A_242, %dma_start3A_243] : memref<200x128xi32, #tpu.memory_space<vmem>> -> memref<1x128xi32, #tpu.memory_space<vmem>>
        %dma_start3A_245 = tpu.memref_squeeze %dma_start3A_244 : memref<1x128xi32, #tpu.memory_space<vmem>> -> memref<128xi32, #tpu.memory_space<vmem>>
        %dma_start3A_246 = arith.constant 0 : i32
        %dma_start3A_247 = arith.constant 0 : i32
        %dma_start3A_248 = tpu.memref_slice %arg3[%dma_start3A_246, %dma_start3A_247] : memref<1000000x64xf32, #tpu.memory_space<hbm>> -> memref<1000000x64xf32, #tpu.memory_space<hbm>>
        tpu.enqueue_indirect_dma source(%dma_start3A_248 : memref<1000000x64xf32, #tpu.memory_space<hbm>>) target(%arg11 : memref<128x64xf32, #tpu.memory_space<vmem>>) offsets(%dma_start3A_245 : memref<128xi32, #tpu.memory_space<vmem>>) semaphore(%arg21 : memref<!tpu.dma_semaphore, #tpu.memory_space<semaphore_mem>>)
      } else {
      }
      %mul3A_206 = arith.constant 5 : i32
      %mul3A_207 = arith.muli %mul3A_206, %scan3A_74 : i32
      %add3A_208 = arith.constant 4 : i32
      %add3A_209 = arith.addi %mul3A_207, %add3A_208 : i32
      %dma_wait3A_210 = arith.constant 0 : i32
      %dma_wait3A_211 = tpu.memref_slice %arg6[%add3A_209, %dma_wait3A_210] : memref<200x128xi32, #tpu.memory_space<vmem>> -> memref<1x128xi32, #tpu.memory_space<vmem>>
      %dma_wait3A_212 = tpu.memref_squeeze %dma_wait3A_211 : memref<1x128xi32, #tpu.memory_space<vmem>> -> memref<128xi32, #tpu.memory_space<vmem>>
      %dma_wait3A_213 = arith.constant 0 : i32
      %dma_wait3A_214 = arith.constant 0 : i32
      %dma_wait3A_215 = tpu.memref_slice %arg3[%dma_wait3A_213, %dma_wait3A_214] : memref<1000000x64xf32, #tpu.memory_space<hbm>> -> memref<1000000x64xf32, #tpu.memory_space<hbm>>
      tpu.wait_indirect_dma semaphore(%arg22 : memref<!tpu.dma_semaphore, #tpu.memory_space<semaphore_mem>>) src(%dma_wait3A_215 : memref<1000000x64xf32, #tpu.memory_space<hbm>>) dst(%arg12 : memref<128x64xf32, #tpu.memory_space<vmem>>)
      %gt3A_216 = arith.constant 0 : i32
      %gt3A_217 = arith.cmpi sgt, %scan3A_74, %gt3A_216 : i32
      %convert_element_type3A_218 = arith.extui %gt3A_217 : i1 to i32
      %cond3A_219 = arith.constant 0 : i32
      %cond3A_220 = arith.cmpi ne, %convert_element_type3A_218, %cond3A_219 : i32
      scf.if %cond3A_220 {
        %sub3A = arith.constant 5 : i32
        %sub3A_241 = arith.subi %add3A_209, %sub3A : i32
        %mul3A_242 = arith.constant 128 : i32
        %mul3A_243 = arith.muli %sub3A_241, %mul3A_242 : i32
        %add3A_244 = arith.addi %mul3A_2, %mul3A_243 : i32
        %dma_wait3A_245 = arith.constant 0 : i32
        %dma_wait3A_246 = tpu.memref_slice %arg5[%add3A_244, %dma_wait3A_245] : memref<819200x128xf32, #tpu.memory_space<hbm>> -> memref<128x64xf32, #tpu.memory_space<hbm>>
        %dma_wait3A_247 = arith.constant 0 : i32
        %dma_wait3A_248 = tpu.memref_slice %arg5[%add3A_244, %dma_wait3A_247] : memref<819200x128xf32, #tpu.memory_space<hbm>> -> memref<128x64xf32, #tpu.memory_space<hbm>>
        tpu.wait_dma2 semaphore(%arg27 : memref<!tpu.dma_semaphore, #tpu.memory_space<semaphore_mem>>) src(%arg17 : memref<128x64xf32, #tpu.memory_space<vmem>>) dst(%dma_wait3A_248 : memref<128x64xf32, #tpu.memory_space<hbm>>)
      } else {
      }
      %mul3A_221 = arith.constant 128 : i32
      %mul3A_222 = arith.muli %add3A_209, %mul3A_221 : i32
      %rem3A_223 = arith.constant 200 : i32
      %rem3A_224 = arith.remsi %mul3A_222, %rem3A_223 : i32
      %parallel_loop3A_225 = arith.constant 0 : i32
      %parallel_loop3A_226 = arith.constant 128 : i32
      %parallel_loop3A_227 = arith.constant 1 : i32
      scf.for %parallel_loop3A_241 = %parallel_loop3A_225 to %parallel_loop3A_226 step %parallel_loop3A_227  : i32 {
        %parallel_loop3A_242 = arith.index_cast %parallel_loop3A_241 : i32 to index
        %parallel_loop3A_243 = arith.constant 0 : index
        %parallel_loop3A_244 = tpu.vector_load %arg12[%parallel_loop3A_242, %parallel_loop3A_243] {strides = array<i32>} : memref<128x64xf32, #tpu.memory_space<vmem>>, vector<1x16xf32>,
        %parallel_loop3A_245 = vector.shape_cast %parallel_loop3A_244 : vector<1x16xf32> to vector<16xf32>
        %parallel_loop3A_246 = arith.addi %rem3A_224, %parallel_loop3A_241 : i32
        %parallel_loop3A_247 = arith.index_cast %parallel_loop3A_246 : i32 to index
        %parallel_loop3A_248 = arith.constant 0 : index
        %parallel_loop3A_249 = tpu.vector_load %arg7[%parallel_loop3A_247, %parallel_loop3A_248] {strides = array<i32>} : memref<320x64xf32, #tpu.memory_space<vmem>>, vector<1x16xf32>,
        %parallel_loop3A_250 = vector.shape_cast %parallel_loop3A_249 : vector<1x16xf32> to vector<16xf32>
        %parallel_loop3A_251 = arith.addf %parallel_loop3A_245, %parallel_loop3A_250 : vector<16xf32>
        %parallel_loop3A_252 = arith.index_cast %parallel_loop3A_241 : i32 to index
        %parallel_loop3A_253 = arith.constant 0 : index
        %parallel_loop3A_254 = tpu.vector_load %arg17[%parallel_loop3A_252, %parallel_loop3A_253] {strides = array<i32>} : memref<128x64xf32, #tpu.memory_space<vmem>>, vector<1x16xf32>,
        %parallel_loop3A_255 = vector.shape_cast %parallel_loop3A_254 : vector<1x16xf32> to vector<16xf32>
        %parallel_loop3A_256 = vector.shape_cast %parallel_loop3A_251 : vector<16xf32> to vector<1x16xf32>
        tpu.vector_store %arg17[%parallel_loop3A_252, %parallel_loop3A_253], %parallel_loop3A_256 {strides = array<i32>} : memref<128x64xf32, #tpu.memory_space<vmem>>, vector<1x16xf32>,
        %parallel_loop3A_257 = arith.index_cast %parallel_loop3A_241 : i32 to index
        %parallel_loop3A_258 = arith.constant 16 : index
        %parallel_loop3A_259 = tpu.vector_load %arg12[%parallel_loop3A_257, %parallel_loop3A_258] {strides = array<i32>} : memref<128x64xf32, #tpu.memory_space<vmem>>, vector<1x16xf32>,
        %parallel_loop3A_260 = vector.shape_cast %parallel_loop3A_259 : vector<1x16xf32> to vector<16xf32>
        %parallel_loop3A_261 = arith.addi %rem3A_224, %parallel_loop3A_241 : i32
        %parallel_loop3A_262 = arith.index_cast %parallel_loop3A_261 : i32 to index
        %parallel_loop3A_263 = arith.constant 16 : index
        %parallel_loop3A_264 = tpu.vector_load %arg7[%parallel_loop3A_262, %parallel_loop3A_263] {strides = array<i32>} : memref<320x64xf32, #tpu.memory_space<vmem>>, vector<1x16xf32>,
        %parallel_loop3A_265 = vector.shape_cast %parallel_loop3A_264 : vector<1x16xf32> to vector<16xf32>
        %parallel_loop3A_266 = arith.addf %parallel_loop3A_260, %parallel_loop3A_265 : vector<16xf32>
        %parallel_loop3A_267 = arith.index_cast %parallel_loop3A_241 : i32 to index
        %parallel_loop3A_268 = arith.constant 16 : index
        %parallel_loop3A_269 = tpu.vector_load %arg17[%parallel_loop3A_267, %parallel_loop3A_268] {strides = array<i32>} : memref<128x64xf32, #tpu.memory_space<vmem>>, vector<1x16xf32>,
        %parallel_loop3A_270 = vector.shape_cast %parallel_loop3A_269 : vector<1x16xf32> to vector<16xf32>
        %parallel_loop3A_271 = vector.shape_cast %parallel_loop3A_266 : vector<16xf32> to vector<1x16xf32>
        tpu.vector_store %arg17[%parallel_loop3A_267, %parallel_loop3A_268], %parallel_loop3A_271 {strides = array<i32>} : memref<128x64xf32, #tpu.memory_space<vmem>>, vector<1x16xf32>,
        %parallel_loop3A_272 = arith.index_cast %parallel_loop3A_241 : i32 to index
        %parallel_loop3A_273 = arith.constant 32 : index
        %parallel_loop3A_274 = tpu.vector_load %arg12[%parallel_loop3A_272, %parallel_loop3A_273] {strides = array<i32>} : memref<128x64xf32, #tpu.memory_space<vmem>>, vector<1x16xf32>,
        %parallel_loop3A_275 = vector.shape_cast %parallel_loop3A_274 : vector<1x16xf32> to vector<16xf32>
        %parallel_loop3A_276 = arith.addi %rem3A_224, %parallel_loop3A_241 : i32
        %parallel_loop3A_277 = arith.index_cast %parallel_loop3A_276 : i32 to index
        %parallel_loop3A_278 = arith.constant 32 : index
        %parallel_loop3A_279 = tpu.vector_load %arg7[%parallel_loop3A_277, %parallel_loop3A_278] {strides = array<i32>} : memref<320x64xf32, #tpu.memory_space<vmem>>, vector<1x16xf32>,
        %parallel_loop3A_280 = vector.shape_cast %parallel_loop3A_279 : vector<1x16xf32> to vector<16xf32>
        %parallel_loop3A_281 = arith.addf %parallel_loop3A_275, %parallel_loop3A_280 : vector<16xf32>
        %parallel_loop3A_282 = arith.index_cast %parallel_loop3A_241 : i32 to index
        %parallel_loop3A_283 = arith.constant 32 : index
        %parallel_loop3A_284 = tpu.vector_load %arg17[%parallel_loop3A_282, %parallel_loop3A_283] {strides = array<i32>} : memref<128x64xf32, #tpu.memory_space<vmem>>, vector<1x16xf32>,
        %parallel_loop3A_285 = vector.shape_cast %parallel_loop3A_284 : vector<1x16xf32> to vector<16xf32>
        %parallel_loop3A_286 = vector.shape_cast %parallel_loop3A_281 : vector<16xf32> to vector<1x16xf32>
        tpu.vector_store %arg17[%parallel_loop3A_282, %parallel_loop3A_283], %parallel_loop3A_286 {strides = array<i32>} : memref<128x64xf32, #tpu.memory_space<vmem>>, vector<1x16xf32>,
        %parallel_loop3A_287 = arith.index_cast %parallel_loop3A_241 : i32 to index
        %parallel_loop3A_288 = arith.constant 48 : index
        %parallel_loop3A_289 = tpu.vector_load %arg12[%parallel_loop3A_287, %parallel_loop3A_288] {strides = array<i32>} : memref<128x64xf32, #tpu.memory_space<vmem>>, vector<1x16xf32>,
        %parallel_loop3A_290 = vector.shape_cast %parallel_loop3A_289 : vector<1x16xf32> to vector<16xf32>
        %parallel_loop3A_291 = arith.addi %rem3A_224, %parallel_loop3A_241 : i32
        %parallel_loop3A_292 = arith.index_cast %parallel_loop3A_291 : i32 to index
        %parallel_loop3A_293 = arith.constant 48 : index
        %parallel_loop3A_294 = tpu.vector_load %arg7[%parallel_loop3A_292, %parallel_loop3A_293] {strides = array<i32>} : memref<320x64xf32, #tpu.memory_space<vmem>>, vector<1x16xf32>,
        %parallel_loop3A_295 = vector.shape_cast %parallel_loop3A_294 : vector<1x16xf32> to vector<16xf32>
        %parallel_loop3A_296 = arith.addf %parallel_loop3A_290, %parallel_loop3A_295 : vector<16xf32>
        %parallel_loop3A_297 = arith.index_cast %parallel_loop3A_241 : i32 to index
        %parallel_loop3A_298 = arith.constant 48 : index
        %parallel_loop3A_299 = tpu.vector_load %arg17[%parallel_loop3A_297, %parallel_loop3A_298] {strides = array<i32>} : memref<128x64xf32, #tpu.memory_space<vmem>>, vector<1x16xf32>,
        %parallel_loop3A_300 = vector.shape_cast %parallel_loop3A_299 : vector<1x16xf32> to vector<16xf32>
        %parallel_loop3A_301 = vector.shape_cast %parallel_loop3A_296 : vector<16xf32> to vector<1x16xf32>
        tpu.vector_store %arg17[%parallel_loop3A_297, %parallel_loop3A_298], %parallel_loop3A_301 {strides = array<i32>} : memref<128x64xf32, #tpu.memory_space<vmem>>, vector<1x16xf32>,
      } {sc.loop_unroll_factor = 8 : i64, sc.parallel_access}
      %mul3A_228 = arith.constant 128 : i32
      %mul3A_229 = arith.muli %add3A_209, %mul3A_228 : i32
      %add3A_230 = arith.addi %mul3A_2, %mul3A_229 : i32
      %dma_start3A_231 = arith.constant 0 : i32
      %dma_start3A_232 = tpu.memref_slice %arg5[%add3A_230, %dma_start3A_231] : memref<819200x128xf32, #tpu.memory_space<hbm>> -> memref<128x64xf32, #tpu.memory_space<hbm>>
      %dma_start3A_233 = arith.constant 0 : i32
      %dma_start3A_234 = tpu.memref_slice %arg5[%add3A_230, %dma_start3A_233] : memref<819200x128xf32, #tpu.memory_space<hbm>> -> memref<128x64xf32, #tpu.memory_space<hbm>>
      tpu.enqueue_dma source(%arg17 : memref<128x64xf32, #tpu.memory_space<vmem>>) target(%dma_start3A_234 : memref<128x64xf32, #tpu.memory_space<hbm>>) target_semaphore(%arg27 : memref<!tpu.dma_semaphore, #tpu.memory_space<semaphore_mem>>)
      %lt3A_235 = arith.constant 39 : i32
      %lt3A_236 = arith.cmpi slt, %scan3A_74, %lt3A_235 : i32
      %convert_element_type3A_237 = arith.extui %lt3A_236 : i1 to i32
      %cond3A_238 = arith.constant 0 : i32
      %cond3A_239 = arith.cmpi ne, %convert_element_type3A_237, %cond3A_238 : i32
      scf.if %cond3A_239 {
        %add3A_241 = arith.constant 5 : i32
        %add3A_242 = arith.addi %add3A_209, %add3A_241 : i32
        %dma_start3A_243 = arith.constant 0 : i32
        %dma_start3A_244 = tpu.memref_slice %arg6[%add3A_242, %dma_start3A_243] : memref<200x128xi32, #tpu.memory_space<vmem>> -> memref<1x128xi32, #tpu.memory_space<vmem>>
        %dma_start3A_245 = tpu.memref_squeeze %dma_start3A_244 : memref<1x128xi32, #tpu.memory_space<vmem>> -> memref<128xi32, #tpu.memory_space<vmem>>
        %dma_start3A_246 = arith.constant 0 : i32
        %dma_start3A_247 = arith.constant 0 : i32
        %dma_start3A_248 = tpu.memref_slice %arg3[%dma_start3A_246, %dma_start3A_247] : memref<1000000x64xf32, #tpu.memory_space<hbm>> -> memref<1000000x64xf32, #tpu.memory_space<hbm>>
        tpu.enqueue_indirect_dma source(%dma_start3A_248 : memref<1000000x64xf32, #tpu.memory_space<hbm>>) target(%arg12 : memref<128x64xf32, #tpu.memory_space<vmem>>) offsets(%dma_start3A_245 : memref<128xi32, #tpu.memory_space<vmem>>) semaphore(%arg22 : memref<!tpu.dma_semaphore, #tpu.memory_space<semaphore_mem>>)
      } else {
      }
      %scan3A_240 = arith.constant 0 : i32
      scf.yield %scan3A_240 : i32
    }
    %scan3A_44 = arith.constant 40 : i32
    %add3A_45 = arith.constant 24960 : i32
    %add3A_46 = arith.addi %mul3A_2, %add3A_45 : i32
    %dma_wait3A = arith.constant 0 : i32
    %dma_wait3A_47 = tpu.memref_slice %arg5[%add3A_46, %dma_wait3A] : memref<819200x128xf32, #tpu.memory_space<hbm>> -> memref<128x64xf32, #tpu.memory_space<hbm>>
    %dma_wait3A_48 = arith.constant 0 : i32
    %dma_wait3A_49 = tpu.memref_slice %arg5[%add3A_46, %dma_wait3A_48] : memref<819200x128xf32, #tpu.memory_space<hbm>> -> memref<128x64xf32, #tpu.memory_space<hbm>>
    tpu.wait_dma2 semaphore(%arg23 : memref<!tpu.dma_semaphore, #tpu.memory_space<semaphore_mem>>) src(%arg13 : memref<128x64xf32, #tpu.memory_space<vmem>>) dst(%dma_wait3A_49 : memref<128x64xf32, #tpu.memory_space<hbm>>)
    %add3A_50 = arith.constant 25088 : i32
    %add3A_51 = arith.addi %mul3A_2, %add3A_50 : i32
    %dma_wait3A_52 = arith.constant 0 : i32
    %dma_wait3A_53 = tpu.memref_slice %arg5[%add3A_51, %dma_wait3A_52] : memref<819200x128xf32, #tpu.memory_space<hbm>> -> memref<128x64xf32, #tpu.memory_space<hbm>>
    %dma_wait3A_54 = arith.constant 0 : i32
    %dma_wait3A_55 = tpu.memref_slice %arg5[%add3A_51, %dma_wait3A_54] : memref<819200x128xf32, #tpu.memory_space<hbm>> -> memref<128x64xf32, #tpu.memory_space<hbm>>
    tpu.wait_dma2 semaphore(%arg24 : memref<!tpu.dma_semaphore, #tpu.memory_space<semaphore_mem>>) src(%arg14 : memref<128x64xf32, #tpu.memory_space<vmem>>) dst(%dma_wait3A_55 : memref<128x64xf32, #tpu.memory_space<hbm>>)
    %add3A_56 = arith.constant 25216 : i32
    %add3A_57 = arith.addi %mul3A_2, %add3A_56 : i32
    %dma_wait3A_58 = arith.constant 0 : i32
    %dma_wait3A_59 = tpu.memref_slice %arg5[%add3A_57, %dma_wait3A_58] : memref<819200x128xf32, #tpu.memory_space<hbm>> -> memref<128x64xf32, #tpu.memory_space<hbm>>
    %dma_wait3A_60 = arith.constant 0 : i32
    %dma_wait3A_61 = tpu.memref_slice %arg5[%add3A_57, %dma_wait3A_60] : memref<819200x128xf32, #tpu.memory_space<hbm>> -> memref<128x64xf32, #tpu.memory_space<hbm>>
    tpu.wait_dma2 semaphore(%arg25 : memref<!tpu.dma_semaphore, #tpu.memory_space<semaphore_mem>>) src(%arg15 : memref<128x64xf32, #tpu.memory_space<vmem>>) dst(%dma_wait3A_61 : memref<128x64xf32, #tpu.memory_space<hbm>>)
    %add3A_62 = arith.constant 25344 : i32
    %add3A_63 = arith.addi %mul3A_2, %add3A_62 : i32
    %dma_wait3A_64 = arith.constant 0 : i32
    %dma_wait3A_65 = tpu.memref_slice %arg5[%add3A_63, %dma_wait3A_64] : memref<819200x128xf32, #tpu.memory_space<hbm>> -> memref<128x64xf32, #tpu.memory_space<hbm>>
    %dma_wait3A_66 = arith.constant 0 : i32
    %dma_wait3A_67 = tpu.memref_slice %arg5[%add3A_63, %dma_wait3A_66] : memref<819200x128xf32, #tpu.memory_space<hbm>> -> memref<128x64xf32, #tpu.memory_space<hbm>>
    tpu.wait_dma2 semaphore(%arg26 : memref<!tpu.dma_semaphore, #tpu.memory_space<semaphore_mem>>) src(%arg16 : memref<128x64xf32, #tpu.memory_space<vmem>>) dst(%dma_wait3A_67 : memref<128x64xf32, #tpu.memory_space<hbm>>)
    %add3A_68 = arith.constant 25472 : i32
    %add3A_69 = arith.addi %mul3A_2, %add3A_68 : i32
    %dma_wait3A_70 = arith.constant 0 : i32
    %dma_wait3A_71 = tpu.memref_slice %arg5[%add3A_69, %dma_wait3A_70] : memref<819200x128xf32, #tpu.memory_space<hbm>> -> memref<128x64xf32, #tpu.memory_space<hbm>>
    %dma_wait3A_72 = arith.constant 0 : i32
    %dma_wait3A_73 = tpu.memref_slice %arg5[%add3A_69, %dma_wait3A_72] : memref<819200x128xf32, #tpu.memory_space<hbm>> -> memref<128x64xf32, #tpu.memory_space<hbm>>
    tpu.wait_dma2 semaphore(%arg27 : memref<!tpu.dma_semaphore, #tpu.memory_space<semaphore_mem>>) src(%arg17 : memref<128x64xf32, #tpu.memory_space<vmem>>) dst(%dma_wait3A_73 : memref<128x64xf32, #tpu.memory_space<hbm>>)
    return
  }
}

</mosaic_0001>

<sc_bundles>
// kernel: kernel.3.cloned.1.call-start
scs
__scs_entry_jumppad:
0x0: {  	(pc) =	sbr.rel $0x88, $3  }
0x1: {  	(tag) =	ssettag $0x0;
	lr =	simm.s32 $0x1  }
0x2: {  	[smem:$0x3F9E] =	sst lr;
	_ =	strace $0xD0000000  }
0x3: {  	_ = 	snop  }
0x4: {  	_ = 	snop  }
0x5: {  	_ = 	snop  }
0x6: {  	_ = 	snop  }
0x7: {  	_ = 	snop  }
__scs_overlays_trampoline_lowered:
0x8: {  	[smem:$0x3FAD] =	sst s0  }
0x9: {  	[smem:$0x3FAE] =	sst s1  }
0xa: {  	[smem:$0x3FAF] =	sst s2  }
0xb: {  	[smem:$0x3FB0] =	sst s3  }
0xc: {  	[smem:$0x3FB1] =	sst s4  }
0xd: {  	[smem:$0x3FB2] =	sst s5  }
0xe: {  	[smem:$0x3FB3] =	sst s6  }
0xf: {  	[smem:$0x3FB4] =	sst s7  }
0x10: {  	[smem:$0x3FB5] =	sst s8  }
0x11: {  	[smem:$0x3FB6] =	sst s9;
	s0 =	simm.s32 @!p0 $0x0  }
0x12: {  	s1 =	sld [smem:$0x3F9C];
	s0 =	simm.s32 @p0 $0x1  }
0x13: {  	[smem:$0x3FB7] =	sst s0;
	s0 =	simm.s32 @!p1 $0x0  }
0x14: {  	s2 =	sld [smem:$0x3F9B];
	s0 =	simm.s32 @p1 $0x1  }
0x15: {  	[smem:$0x3FB8] =	sst s0;
	s0 =	simm.s32 @!p2 $0x0  }
0x16: {  	s3 =	sld [smem:$0x3FDB];
	s0 =	simm.s32 @p2 $0x1  }
0x17: {  	s4 =	simm.s32 $0x1BF5;
	[smem:$0x3FBA] =	sst s0  }
0x18: {  	s0 =	sld [smem:$0x3F9D];
	_ =	swait.ge [sflag:s4], $0x0  }
0x19: {  	s7 =	sld [smem:$0x3F9E]  }
0x1a: {  	s8 =	sadd.s32 $0xFFFFE003, lr  }
0x1b: {  	s9 =	sadd.s32 $0xFFFFFEF7, lr;
	s5 =	simm.s32 $0xFFFFFFFF;
	p2 =	slt.u32 s8, $0xFFFFF086  }
0x1c: {  	p1 =	slt.u32 s9, $0xF7A;
	s5 =	simm.s32 @!p2 $0x0  }
0x1d: {  	s5 =	simm.s32 @p1 $0x1;
	p0 =	seq.s32 s7, s2  }
0x1e: {  	s7 =	smul.u32 @!p0 $0xF7A, s2;
	p2 =	seq.s32 @!p0 s5, $0x0  }
0x1f: {  	s9 =	smul.u32 $0xF7A, s1;
	s8 =	simm.s32 @!p0 $0x1BF5;
	p2 =	por !p2, p0  }
0x20: {  	[sflag:s8] =	ssyncset.s32 @!p0 $0xFFFFF086;
	s6 =	sadd.s32 @!p0 s3, s7;
	s7 =	simm.s32 @!p0 $0x108  }
0x21: {  	s3 =	sadd.s32 s3, s9;
	s6 =	sadd.s32 @!p0 $0x88, s6;
	s7 =	simm.s32 @p2 $0x1082  }
0x22: {  	[simem:s7], [sflag:s8] =	dma.local @!p0 [hbm:s6], $0xF7A  }
0x23: {  	s9 =	sor.u32 $0xD0000000, s2;
	s6 =	simm.s32 $0x108;
	_ =	swait.ge @!p0 [sflag:s8], $0x0  }
0x24: {  	s3 =	sadd.s32 $0x88, s3;
	s6 =	simm.s32 @!p1 $0x1082;
	[sflag:s4] =	ssyncset.s32 $0xFFFFF086  }
0x25: {  	[simem:s6], [sflag:s4] =	dma.local [hbm:s3], $0xF7A  }
0x26: {  	[smem:$0x3F9E] =	sst s1;
	(tag) =	ssettag s2;
	_ =	strace s9  }
0x27: {  	s1 =	sld [smem:$0x3FAE]  }
0x28: {  	s2 =	sld [smem:$0x3FAF]  }
0x29: {  	s4 =	sld [smem:$0x3FB1]  }
0x2a: {  	p0 =	seq.s32 s5, $0x0;
	s5 =	sld [smem:$0x3FB2]  }
0x2b: {  	s6 =	sld [smem:$0x3FB3]  }
0x2c: {  	s7 =	sld [smem:$0x3FB4]  }
0x2d: {  	s3 =	simm.s32 $0x108;
	s8 =	sld [smem:$0x3FB5]  }
0x2e: {  	s3 =	simm.s32 @!p0 $0x1082;
	s9 =	sld [smem:$0x3FB6]  }
0x2f: {  	lr =	sadd.s32 s0, s3;
	s0 =	sld [smem:$0x3FAD]  }
0x30: {  	s3 =	sld [smem:$0x3FB0]  }
0x31: {  	[smem:$0x3FB9] =	sst s10  }
0x32: {  	s10 =	sld [smem:$0x3FB7];
	_ =	sdelay $0x3  }
0x33: {  	p0 =	seq.s32 s10, $0x1;
	s10 =	sld [smem:$0x3FB9];
	_ =	sdelay $0x3  }
0x34: {  	[smem:$0x3FB9] =	sst s10  }
0x35: {  	s10 =	sld [smem:$0x3FB8];
	_ =	sdelay $0x3  }
0x36: {  	p1 =	seq.s32 s10, $0x1;
	s10 =	sld [smem:$0x3FB9];
	_ =	sdelay $0x3  }
0x37: {  	[smem:$0x3FB9] =	sst s10  }
0x38: {  	s10 =	sld [smem:$0x3FBA]  }
0x39: {  	_ = 	snop;
	(pc) =	sbr.ind lr, $3  }
0x3a: {  	_ = 	snop  }
0x3b: {  	_ = 	snop  }
0x3c: {  	p2 =	seq.s32 s10, $0x1;
	s10 =	sld [smem:$0x3FB9]  }
0x3d: {  	_ =	shalt  }
0x3e: {  	_ =	shalt  }
0x3f: {  	_ =	shalt  }
0x40: {  	_ =	shalt  }
0x41: {  	_ =	shalt  }
0x42: {  	_ =	shalt  }
0x43: {  	_ =	shalt  }
0x44: {  	_ =	shalt  }
0x45: {  	_ =	shalt  }
0x46: {  	_ =	shalt  }
0x47: {  	_ =	shalt  }
0x48: {  	_ =	shalt  }
0x49: {  	_ =	shalt  }
0x4a: {  	_ =	shalt  }
0x4b: {  	_ =	shalt  }
0x4c: {  	_ =	shalt  }
0x4d: {  	_ =	shalt  }
0x4e: {  	_ =	shalt  }
0x4f: {  	_ =	shalt  }
0x50: {  	_ =	shalt  }
0x51: {  	_ =	shalt  }
0x52: {  	_ =	shalt  }
0x53: {  	_ =	shalt  }
0x54: {  	_ =	shalt  }
0x55: {  	_ =	shalt  }
0x56: {  	_ =	shalt  }
0x57: {  	_ =	shalt  }
0x58: {  	_ =	shalt  }
0x59: {  	_ =	shalt  }
0x5a: {  	_ =	shalt  }
0x5b: {  	_ =	shalt  }
0x5c: {  	_ =	shalt  }
0x5d: {  	_ =	shalt  }
0x5e: {  	_ =	shalt  }
0x5f: {  	_ =	shalt  }
0x60: {  	_ =	shalt  }
0x61: {  	_ =	shalt  }
0x62: {  	_ =	shalt  }
0x63: {  	_ =	shalt  }
0x64: {  	_ =	shalt  }
0x65: {  	_ =	shalt  }
0x66: {  	_ =	shalt  }
0x67: {  	_ =	shalt  }
0x68: {  	_ =	shalt  }
0x69: {  	_ =	shalt  }
0x6a: {  	_ =	shalt  }
0x6b: {  	_ =	shalt  }
0x6c: {  	_ =	shalt  }
0x6d: {  	_ =	shalt  }
0x6e: {  	_ =	shalt  }
0x6f: {  	_ =	shalt  }
0x70: {  	_ =	shalt  }
0x71: {  	_ =	shalt  }
0x72: {  	_ =	shalt  }
0x73: {  	_ =	shalt  }
0x74: {  	_ =	shalt  }
0x75: {  	_ =	shalt  }
0x76: {  	_ =	shalt  }
0x77: {  	_ =	shalt  }
0x78: {  	_ =	shalt  }
0x79: {  	_ =	shalt  }
0x7a: {  	_ =	shalt  }
0x7b: {  	_ =	shalt  }
0x7c: {  	_ =	shalt  }
0x7d: {  	_ =	shalt  }
0x7e: {  	_ =	shalt  }
0x7f: {  	_ =	shalt  }
0x80: {  	_ =	shalt  }
0x81: {  	_ =	shalt  }
0x82: {  	_ =	shalt  }
0x83: {  	_ =	shalt  }
0x84: {  	_ =	shalt  }
0x85: {  	_ =	shalt  }
0x86: {  	_ =	shalt  }
0x87: {  	_ =	shalt  }
.Lfunc_end0:
.L_simem_size_0:
called_computation.1_lowered:
.L_overlay_start_0:
0x88: {  	s2 =	sld [smem:$0x3FD9]  }
0x89: {  	s3 =	sld [smem:$0x3FFE];
	_ =	sdelay $0x1  }
0x8a: {  	s1 =	srdreg.scid  }
0x8b: {  	s0 =	sand.u32 $0x1, s1  }
0x8c: {  	s17 =	sshll.u32 s0, $0xA;
	s2 =	sadd.s32 s3, s2  }
0x8d: {  	s2 =	sadd.s32 s2, s17  }
0x8e: {  	[smem:$0x3FC5] =	sst s2  }
0x8f: {  	_ = 	snop  }
0x90: {  	s2 =	sld [smem:$0x3FD0];
	(tm) =	ssettm $0x1  }
0x91: {  	s18 =	sld [smem:$0x3FFB];
	_ =	sdelay $0x3  }
0x92: {  	_ =	strace s18  }
0x93: {  	s3 =	sld [smem:$0x3FFC];
	_ =	sdelay $0x3  }
0x94: {  	_ =	strace s3  }
0x95: {  	s3 =	sld [smem:$0x3FFD];
	_ =	sdelay $0x3  }
0x96: {  	_ =	strace s3  }
0x97: {  	_ =	strace $0x8FFFFFFF  }
0x98: {  	s19 =	sld [smem:$0x3FDB];
	_ =	sdelay $0x1  }
0x99: {  	s4 =	simm.s32 $_scs_section_size  }
0x9a: {  	s5 =	simm.s32 $_size__tile_overlayer_lowered;
	s6 =	simm.s32 $_tile_overlayer_lowered  }
0x9b: {  	s22 =	simm.s32 $0x1BFF;
	s21 =	sshll.u32 s6, $0x1;
	s3 =	sadd.s32 s4, s19  }
0x9c: {  	s7 =	simm.s32 $0x0;
	s20 =	sshll.u32 s5, $0x1;
	s5 =	sadd.s32 s21, s3  }
0x9d: {  	[timem:s7], [sflag:s22] =	dma.local [hbm:s5], s20  }
0x9e: {  	_ =	swait.ge [sflag:s22], s20  }
0x9f: {  	s4 =	ssub.s32 $0x0, s20;
	[sflag:s22] =	ssyncset.done $0x0  }
0xa0: {  	[sflag:s22] =	ssyncadd.s32 s4;
	_ =	sdelay $0x1  }
0xa1: {  	s23 =	simm.s32 $0x1B8B  }
0xa2: {  	_ =	swait.ge [sflag:s23], $0x1  }
0xa3: {  	[sflag:s23] =	ssyncset.done $0x0  }
0xa4: {  	s25 =	simm.s32 $0x1B8E;
	s24 =	sld [smem:$0x3FFE];
	[sflag:s23] =	ssyncadd.s32 $0xFFFFFFFF  }
0xa5: {  	s26 =	simm.s32 $execute0_lowered;
	[smem:$0x3FD2] =	sst s25  }
0xa6: {  	s5 =	sshll.u32 s26, $0x1;
	_ =	strace $0x80000046;
	[dreg:$0x1] =	wrdreg $0xFFFFFFFF  }
0xa7: {  	s28 =	simm.s32 $_size_execute0_lowered;
	s3 =	sadd.s32 s3, s5;
	[dreg:$0x0] =	wrdreg $0x0  }
0xa8: {  	s5 =	sshll.u32 s28, $0x1;
	[dreg:$0x2] =	wrdreg s3  }
0xa9: {  	[dreg:$0x3] =	wrdreg s5  }
0xaa: {  	[dreg:$0x4] =	wrdreg $0xC0  }
0xab: {  	_ =	task [dreg:s7], $0x5FFFF  }
0xac: {  	[dreg:$0x1] =	wrdreg $0xFFFFFFFF  }
0xad: {  	[dreg:$0x0] =	wrdreg $0x60  }
0xae: {  	[dreg:$0x2] =	wrdreg s2  }
0xaf: {  	[dreg:$0x3] =	wrdreg s24  }
0xb0: {  	[dreg:$0x4] =	wrdreg $0x9  }
0xb1: {  	_ =	task.clear_ibuf [dreg:s7], $0x5FFFF;
	_ =	strace $0x90000046  }
0xb2: {  	s29 =	simm.s32 $0x9;
	_ =	strace $0x80000048  }
0xb3: {  	_ =	swait.ge [sflag:s29], $0x1  }
0xb4: {  	[sflag:s29] =	ssyncadd.s32 $0xFFFFFFFF  }
0xb5: {  	_ =	strace $0x90000048  }
0xb6: {  	_ =	sfence  }
0xb7: {  	s30 =	sld [smem:$0x0];
	_ =	sdelay $0x2  }
0xb8: {  	s31 =	sshll.u32 s1, $0xD;
	s1 =	sshrl.u32 s1, $0x2  }
0xb9: {  	s3 =	sand.u32 $0x4000, s31;
	s1 =	sadd.s32 s1, s30  }
0xba: {  	s0 =	sor.u32 s3, s0;
	s1 =	sshll.u32 s1, $0x11  }
0xbb: {  	s0 =	sor.u32 s1, s0  }
0xbc: {  	s0 =	sadd.s32 $0x8F2B, s0  }
0xbd: {  	[sflag:s0] =	ssyncadd.remote.s32 $0x1  }
0xbe: {  	_ =	sfence.sel $0xFFFF  }
0xbf: {  	[dreg:$0x0] =	wrdreg $0xFFFFFFFF;
	(pc) =	sbr.abs _section_cstart, $3  }
0xc0: {  	[dreg:$0x1] =	wrdreg $0xFFFFFFFF  }
0xc1: {  	_ =	task.clear_ibuf [dreg:s7], $0x2FFFF;
	_ =	strace $0x9FFFFFFF  }
0xc2: {  	(tm) =	ssettm $0x7FFFFFFF  }
0xc3: {  	_ =	shalt  }
tec
execute0_lowered:
.L_overlay_start_1:
0x0: {  	(tag) =	ssettag $0x1  }
0x1: {  	s0 =	rddreg [dreg:$0x0]  }
0x2: {  	s1 =	rddreg [dreg:$0x1];
	s2 =	simm.s32 $0x0  }
0x3: {  	s24 =	srdreg.scid;
	s3 =	stileid.u32;
	s16 =	simm.s32 $0x1  }
0x4: {  	s17 =	simm.s32 $0x40;
	s18 =	simm.s32 $0x80;
	s20 =	simm.s32 $0x2  }
0x5: {  	[smem:$0x7FF] =	sst s2;
	s2 =	sand.u32 $0x1, s24;
	s4 =	sshll.u32 s3, $0x1  }
0x6: {  	s23 =	simm.s32 $0x3;
	s6 =	ssub.s32 $0x2, s2;
	s2 =	sor.u32 s2, s4  }
0x7: {  	s30 =	simm.s32 $0x5;
	s31 =	simm.s32 $0xA;
	s7 =	smul.u32 $0xC80, s2  }
.Ltmp0:
0x8: {  	s3 =	sadd.s32 $0xF43000, s1;
	s25 =	sadd.s32 $0xC00, s1;
	(pc) =	sbr.rel .LBB2_1-.Ltmp0, $4  }
0x9: {  	s5 =	sadd.s32 $0x1600, s1;
	_ =	strace $0x80000047;
	s26 =	sshrl.u32 s6, $0x1  }
0xa: {  	[dreg:$0x3] =	wrdreg s25;
	s28 =	ssub.s32 s6, s26;
	s0 =	sadd.s32 s0, s7  }
0xb: {  	s1 =	simm.s32 $0x0;
	s29 =	smax.u32 s28, $0x1;
	[dreg:$0x4] =	wrdreg s0  }
0xc: {  	s6 =	smul.u32 $0x6400, s2;
	s26 =	simm.s32 $0x4;
	[dreg:$0x5] =	wrdreg s29  }
.LBB2_30:
0xd: {  	s0 =	simm.s32 $0x6  }
0xe: {  	_ =	swait.ge [sflag:s0], $0x2000  }
0xf: {  	[sflag:s0] =	ssyncset.done $0x0  }
0x10: {  	s24 =	simm.s32 $0x7;
	[sflag:s0] =	ssyncadd.s32 $0xFFFFE000  }
0x11: {  	_ =	swait.ge [sflag:s24], $0x2000  }
0x12: {  	[sflag:s24] =	ssyncset.done $0x0  }
0x13: {  	s25 =	simm.s32 $0x8;
	[sflag:s24] =	ssyncadd.s32 $0xFFFFE000  }
0x14: {  	_ =	swait.ge [sflag:s25], $0x2000  }
0x15: {  	[sflag:s25] =	ssyncset.done $0x0  }
0x16: {  	s28 =	simm.s32 $0x9;
	[sflag:s25] =	ssyncadd.s32 $0xFFFFE000  }
0x17: {  	_ =	swait.ge [sflag:s28], $0x2000  }
0x18: {  	[sflag:s28] =	ssyncset.done $0x0  }
0x19: {  	[sflag:s28] =	ssyncadd.s32 $0xFFFFE000  }
0x1a: {  	_ =	swait.ge [sflag:s31], $0x2000  }
0x1b: {  	s1 =	rddreg [dreg:$0x6]  }
0x1c: {  	s29 =	rddreg [dreg:$0x5];
	s1 =	sadd.s32 $0x1, s1  }
0x1d: {  	p0 =	sne.s32 s1, s29  }
.Ltmp1:
0x1e: {  	_ = 	snop;
	(pc) =	sbr.rel @!p0 .LBB2_31-.Ltmp1, $3  }
0x1f: {  	_ =	sdelay $0x1  }
0x20: {  	[sflag:s31] =	ssyncset.done $0x0  }
0x21: {  	[sflag:s31] =	ssyncadd.s32 $0xFFFFE000  }
.LBB2_1:
0x22: {  	[dreg:$0x6] =	wrdreg s1  }
0x23: {  	s0 =	simm.s32 $0x0;
	s19 =	rddreg [dreg:$0x4];
	s2 =	simm.s32 $0xB  }
0x24: {  	[tilespmem:s0], [sflag:$0xB] =	stream.linear.gather [hbm4b:s19+s0], $0x6400, $0x38;
	[tilespmem:$0x1F400] =	vst v63  }
0x25: {  	_ =	swait.ge [sflag:s2], $0x6400  }
0x26: {  	[sflag:s2] =	ssyncset.done $0x0  }
0x27: {  	s4 =	simm.s32 $0x6400;
	s21 =	rddreg [dreg:$0x3];
	[sflag:s2] =	ssyncadd.s32 $0xFFFF9C00  }
0x28: {  	[tilespmem:s4], [sflag:$0xB] =	stream.linear.gather [hbm4b:s21+s0], $0x5000, $0x38;
	[tilespmem:$0x1F400] =	vst v63  }
0x29: {  	_ =	swait.ge [sflag:s2], $0x5000  }
0x2a: {  	s22 =	simm.s32 $0xB400;
	s24 =	simm.s32 $0xD400;
	[sflag:s2] =	ssyncset.done $0x0  }
0x2b: {  	s25 =	simm.s32 $0xF400;
	s7 =	simm.s32 $0x180;
	[sflag:s2] =	ssyncadd.s32 $0xFFFFB000  }
0x2c: {  	[tilespmem:s22], [sflag:$0x1] =	stream.indirect.gather [hbm4b:s3+s18], $0x40, s0, s18, $0xb8;
	[tilespmem:$0x1F400] =	vst v63  }
0x2d: {  	s28 =	simm.s32 $0x11400;
	s8 =	simm.s32 $0x200;
	s29 =	simm.s32 $0x13400  }
0x2e: {  	[tilespmem:s24], [sflag:$0x2] =	stream.indirect.gather [hbm4b:s3+s18], $0x40, s18, s18, $0xb8;
	[tilespmem:$0x1F400] =	vst v63  }
0x2f: {  	s1 =	simm.s32 $0x85F0;
	s9 =	simm.s32 $0xA5F0;
	s4 =	simm.s32 $0x100  }
0x30: {  	[tilespmem:s25], [sflag:$0x3] =	stream.indirect.gather [hbm4b:s3+s18], $0x40, s4, s18, $0xb8;
	[tilespmem:$0x1F400] =	vst v63  }
0x31: {  	s10 =	simm.s32 $0xC5F0;
	s11 =	simm.s32 $0xE5F0;
	s12 =	simm.s32 $0x80  }
0x32: {  	[tilespmem:s28], [sflag:$0x4] =	stream.indirect.gather [hbm4b:s3+s18], $0x40, s7, s18, $0xb8;
	[tilespmem:$0x1F400] =	vst v63  }
0x33: {  	s13 =	simm.s32 $0x0;
	s14 =	simm.s32 $0x0;
	s2 =	simm.s32 $0x65F0  }
0x34: {  	[tilespmem:s29], [sflag:$0x5] =	stream.indirect.gather [hbm4b:s3+s18], $0x40, s8, s18, $0xb8;
	[tilespmem:$0x1F400] =	vst v63  }
.LBB2_2:
0x35: {  	_ =	swait.ge [sflag:s16], $0x2000  }
0x36: {  	p0 =	seq.s32 s14, $0x0;
	[sflag:s16] =	ssyncset.done $0x0  }
0x37: {  	s15 =	simm.s32 @!p0 $0x6;
	[sflag:s16] =	ssyncadd.s32 $0xFFFFE000  }
0x38: {  	_ =	swait.ge @!p0 [sflag:s15], $0x2000  }
0x39: {  	[sflag:s15] =	ssyncset.done @!p0 $0x0  }
0x3a: {  	s0 =	smulhi.u32 $0x51EB851F, s13;
	s19 =	simm.s32 $0xB500;
	[sflag:s15] =	ssyncadd.s32 @!p0 $0xFFFFE000  }
0x3b: {  	v0 =	vld [tilespmem:s19+$0xC0]  }
0x3c: {  	s0 =	sshrl.u32 s0, $0x6;
	v3 =	vld [tilespmem:s19+$0xFFFFFF40]  }
0x3d: {  	s0 =	smul.u32 $0xFFFF3800, s0;
	v5 =	vld [tilespmem:s19+$0xFFFFFF80]  }
0x3e: {  	v9 =	vld [tilespmem:s19+$0x0]  }
0x3f: {  	s0 =	sshra.s32 s0, $0x2;
	v11 =	vld [tilespmem:s19+$0x40]  }
0x40: {  	s21 =	sadd.s32 s0, s2;
	v13 =	vld [tilespmem:s19+$0x80]  }
0x41: {  	v1 =	vld [tilespmem:s21+$0xFFFFFFD0]  }
0x42: {  	v2 =	vld [tilespmem:s21+$0xFFFFFE10]  }
0x43: {  	v4 =	vld [tilespmem:s21+$0xFFFFFE50]  }
0x44: {  	v6 =	vld [tilespmem:s21+$0xFFFFFE90]  }
0x45: {  	v7 =	vld [tilespmem:s21+$0xFFFFFED0]  }
0x46: {  	v10 =	vld [tilespmem:s21+$0xFFFFFF10];
	v0 =	vadd.f32 v1, v0  }
0x47: {  	s0 =	simm.s32 $0x15500;
	v1 =	vld [tilespmem:s19+$0xFFFFFFC0]  }
0x48: {  	v3 =	vadd.f32 v4, v3;
	v4 =	vld [tilespmem:s19+$0xFFFFFF00];
	[tilespmem:s0+$0xC0] =	vst v0  }
0x49: {  	v0 =	vld [tilespmem:s19+$0xD0]  }
0x4a: {  	v8 =	vld [tilespmem:s21+$0xFFFFFFE0]  }
0x4b: {  	v12 =	vld [tilespmem:s21+$0xFFFFFF50];
	[tilespmem:s0+$0xFFFFFF40] =	vst v3;
	v3 =	vadd.f32 v6, v5  }
0x4c: {  	v6 =	vld [tilespmem:s19+$0xFFFFFF50]  }
0x4d: {  	[tilespmem:s0+$0xFFFFFF80] =	vst v3;
	v3 =	vld [tilespmem:s21+$0xFFFFFE60];
	v1 =	vadd.f32 v7, v1  }
0x4e: {  	v2 =	vadd.f32 v2, v4;
	v4 =	vld [tilespmem:s19+$0xFFFFFF90]  }
0x4f: {  	[tilespmem:s0+$0xFFFFFFC0] =	vst v1;
	v1 =	vld [tilespmem:s21+$0xFFFFFEA0];
	v0 =	vadd.f32 v8, v0  }
0x50: {  	[tilespmem:s0+$0xFFFFFF00] =	vst v2;
	v2 =	vld [tilespmem:s19+$0xFFFFFFD0]  }
0x51: {  	v54 =	vld [tilespmem:s21+$0xFFFFFEE0];
	[tilespmem:s0+$0xD0] =	vst v0  }
0x52: {  	v3 =	vadd.f32 v3, v6;
	v0 =	vld [tilespmem:s19+$0xE0]  }
0x53: {  	v5 =	vld [tilespmem:s21+$0xFFFFFFF0]  }
0x54: {  	v8 =	vld [tilespmem:s21+$0xFFFFFF90];
	[tilespmem:s0+$0xFFFFFF50] =	vst v3;
	v1 =	vadd.f32 v1, v4  }
0x55: {  	v4 =	vld [tilespmem:s19+$0xFFFFFF60]  }
0x56: {  	[tilespmem:s0+$0xFFFFFF90] =	vst v1;
	v1 =	vadd.f32 v54, v2;
	v2 =	vld [tilespmem:s21+$0xFFFFFE70]  }
0x57: {  	v7 =	vld [tilespmem:s21+$0xFFFFFE20]  }
0x58: {  	v57 =	vld [tilespmem:s19+$0xFFFFFFA0];
	v0 =	vadd.f32 v5, v0  }
0x59: {  	v5 =	vld [tilespmem:s19+$0xFFFFFF10];
	[tilespmem:s0+$0xFFFFFFD0] =	vst v1  }
0x5a: {  	v58 =	vld [tilespmem:s19+$0xFFFFFFE0];
	[tilespmem:s0+$0xE0] =	vst v0;
	v0 =	vadd.f32 v10, v9  }
0x5b: {  	v52 =	vld [tilespmem:s19+$0xF0];
	v2 =	vadd.f32 v2, v4  }
0x5c: {  	v53 =	vld [tilespmem:s21+$0x0];
	[tilespmem:s0+$0x0] =	vst v0;
	v0 =	vadd.f32 v12, v11  }
0x5d: {  	v55 =	vld [tilespmem:s19+$0x10];
	[tilespmem:s0+$0xFFFFFF60] =	vst v2  }
0x5e: {  	[tilespmem:s0+$0x40] =	vst v0;
	v0 =	vadd.f32 v8, v13;
	v8 =	vld [tilespmem:s21+$0xFFFFFF20]  }
0x5f: {  	v60 =	vld [tilespmem:s19+$0xFFFFFF70]  }
0x60: {  	v56 =	vld [tilespmem:s19+$0x50]  }
0x61: {  	[tilespmem:s0+$0x80] =	vst v0;
	v0 =	vadd.f32 v7, v5;
	v5 =	vld [tilespmem:s21+$0xFFFFFF60]  }
0x62: {  	v7 =	vld [tilespmem:s19+$0x90]  }
0x63: {  	[tilespmem:s0+$0xFFFFFF10] =	vst v0;
	v0 =	vld [tilespmem:s21+$0xFFFFFFA0]  }
0x64: {  	v6 =	vld [tilespmem:s19+$0xFFFFFF20]  }
0x65: {  	v3 =	vld [tilespmem:s21+$0xFFFFFE30];
	v1 =	vadd.f32 v8, v55  }
0x66: {  	v8 =	vld [tilespmem:s21+$0xFFFFFEB0]  }
0x67: {  	[tilespmem:s0+$0x10] =	vst v1;
	v1 =	vadd.f32 v5, v56;
	v5 =	vld [tilespmem:s21+$0xFFFFFEF0]  }
0x68: {  	v59 =	vld [tilespmem:s19+$0x20]  }
0x69: {  	[tilespmem:s0+$0x50] =	vst v1;
	v0 =	vadd.f32 v0, v7;
	v1 =	vld [tilespmem:s21+$0xFFFFFF30]  }
0x6a: {  	v7 =	vld [tilespmem:s19+$0x60]  }
0x6b: {  	v3 =	vadd.f32 v3, v6;
	[tilespmem:s0+$0x90] =	vst v0;
	v0 =	vld [tilespmem:s21+$0xFFFFFF70]  }
0x6c: {  	v2 =	vadd.f32 v8, v57;
	v6 =	vld [tilespmem:s19+$0xA0]  }
0x6d: {  	[tilespmem:s0+$0xFFFFFF20] =	vst v3;
	v3 =	vld [tilespmem:s21+$0xFFFFFFB0]  }
0x6e: {  	[tilespmem:s0+$0xFFFFFFA0] =	vst v2;
	v2 =	vadd.f32 v5, v58;
	v5 =	vld [tilespmem:s21+$0xFFFFFE80]  }
0x6f: {  	v4 =	vld [tilespmem:s19+$0xFFFFFF30]  }
0x70: {  	s22 =	smulhi.u32 $0x51EB851F, s7;
	v8 =	vld [tilespmem:s21+$0xFFFFFE40]  }
0x71: {  	s25 =	smulhi.u32 $0x51EB851F, s8;
	v61 =	vld [tilespmem:s19+$0xFFFFFFB0]  }
0x72: {  	s24 =	smulhi.u32 $0x51EB851F, s4;
	s22 =	sshrl.u32 s22, $0x6;
	v62 =	vld [tilespmem:s21+$0xFFFFFEC0];
	[tilespmem:s0+$0xFFFFFFE0] =	vst v2;
	v1 =	vadd.f32 v1, v59  }
0x73: {  	s22 =	smul.u32 $0xFFFF3800, s22;
	v2 =	vadd.f32 v53, v52;
	v63 =	vld [tilespmem:s19+$0xFFFFFFF0]  }
0x74: {  	s15 =	sshrl.u32 s25, $0x6;
	s25 =	smulhi.u32 $0x51EB851F, s12;
	[tilespmem:s0+$0x20] =	vst v1;
	v1 =	vadd.f32 v0, v7;
	v7 =	vld [tilespmem:s21+$0xFFFFFF00]  }
0x75: {  	s24 =	sshrl.u32 s24, $0x6;
	s15 =	smul.u32 $0xFFFF3800, s15;
	[tilespmem:s0+$0xF0] =	vst v2;
	v3 =	vadd.f32 v3, v6;
	v0 =	vld [tilespmem:s19+$0x30]  }
0x76: {  	s24 =	smul.u32 $0xFFFF3800, s24;
	s25 =	sshrl.u32 s25, $0x6;
	v2 =	vld [tilespmem:s21+$0xFFFFFF40];
	[tilespmem:s0+$0x60] =	vst v1;
	v4 =	vadd.f32 v8, v4  }
0x77: {  	s22 =	sshra.s32 s22, $0x2;
	s15 =	sshra.s32 s15, $0x2;
	s25 =	smul.u32 $0xFFFF3800, s25;
	v6 =	vadd.f32 v62, v61;
	[tilespmem:s0+$0xA0] =	vst v3;
	v1 =	vld [tilespmem:s19+$0x70]  }
0x78: {  	s24 =	sshra.s32 s24, $0x2;
	s22 =	sadd.s32 s22, s10;
	s15 =	sadd.s32 s15, s11;
	v5 =	vadd.f32 v5, v60;
	v3 =	vld [tilespmem:s21+$0xFFFFFF80];
	[tilespmem:s0+$0xFFFFFF30] =	vst v4  }
0x79: {  	s28 =	sshra.s32 s25, $0x2;
	s25 =	sadd.s32 s24, s9;
	s24 =	simm.s32 $0x0;
	v4 =	vld [tilespmem:s19+$0xB0];
	[tilespmem:s0+$0xFFFFFFB0] =	vst v6;
	v6 =	vadd.f32 v7, v63  }
0x7a: {  	s29 =	sadd.s32 s28, s1;
	s28 =	simm.s32 $0xB700;
	[tilespmem:s0+$0xFFFFFF70] =	vst v5;
	s19 =	smul.u32 $0x280, s14;
	v5 =	vld [tilespmem:s21+$0xFFFFFFC0]  }
.LBB2_3:
0x7b: {  	v7 =	vld [tilespmem:s28+$0xC0];
	[tilespmem:s0+$0xFFFFFFF0] =	vst v6;
	v0 =	vadd.f32 v2, v0;
	s21 =	sadd.s32 $0x200, s21  }
0x7c: {  	v2 =	vld [tilespmem:s21+$0xFFFFFFD0]  }
0x7d: {  	v6 =	vld [tilespmem:s21+$0xFFFFFE10];
	[tilespmem:s0+$0x30] =	vst v0;
	v0 =	vadd.f32 v3, v1  }
0x7e: {  	v1 =	vld [tilespmem:s28+$0xFFFFFF40]  }
0x7f: {  	s24 =	sadd.s32 $0x8, s24;
	v3 =	vld [tilespmem:s21+$0xFFFFFE50];
	[tilespmem:s0+$0x70] =	vst v0;
	v0 =	vadd.f32 v5, v4  }
0x80: {  	p1 =	slt.u32 s24, $0x78;
	v4 =	vld [tilespmem:s28+$0xFFFFFF80]  }
0x81: {  	v5 =	vld [tilespmem:s21+$0xFFFFFE90];
	v2 =	vadd.f32 v2, v7;
	[tilespmem:s0+$0xB0] =	vst v0  }
0x82: {  	s0 =	sadd.s32 $0x200, s0;
	v0 =	vld [tilespmem:s28+$0xFFFFFFC0]  }
0x83: {  	v7 =	vld [tilespmem:s21+$0xFFFFFED0];
	[tilespmem:s0+$0xC0] =	vst v2  }
0x84: {  	v1 =	vadd.f32 v3, v1;
	v2 =	vld [tilespmem:s28+$0xD0]  }
0x85: {  	v3 =	vld [tilespmem:s21+$0xFFFFFFE0]  }
0x86: {  	[tilespmem:s0+$0xFFFFFF40] =	vst v1;
	v1 =	vadd.f32 v5, v4;
	v4 =	vld [tilespmem:s28+$0x0]  }
0x87: {  	v5 =	vld [tilespmem:s21+$0xFFFFFF10]  }
0x88: {  	[tilespmem:s0+$0xFFFFFF80] =	vst v1;
	v0 =	vadd.f32 v7, v0;
	v1 =	vld [tilespmem:s28+$0x40]  }
0x89: {  	v7 =	vld [tilespmem:s21+$0xFFFFFF50]  }
0x8a: {  	[tilespmem:s0+$0xFFFFFFC0] =	vst v0;
	v0 =	vld [tilespmem:s28+$0x80];
	v2 =	vadd.f32 v3, v2  }
0x8b: {  	v3 =	vld [tilespmem:s21+$0xFFFFFF90]  }
0x8c: {  	v8 =	vld [tilespmem:s28+$0xFFFFFF00];
	v4 =	vadd.f32 v5, v4;
	[tilespmem:s0+$0xD0] =	vst v2  }
0x8d: {  	v2 =	vld [tilespmem:s28+$0xE0]  }
0x8e: {  	[tilespmem:s0+$0x0] =	vst v4;
	v1 =	vadd.f32 v7, v1;
	v4 =	vld [tilespmem:s21+$0xFFFFFFF0]  }
0x8f: {  	v5 =	vld [tilespmem:s28+$0xFFFFFF50]  }
0x90: {  	v7 =	vld [tilespmem:s21+$0xFFFFFE60];
	[tilespmem:s0+$0x40] =	vst v1;
	v0 =	vadd.f32 v3, v0  }
0x91: {  	v1 =	vadd.f32 v6, v8;
	v3 =	vld [tilespmem:s28+$0xFFFFFF90]  }
0x92: {  	v6 =	vld [tilespmem:s21+$0xFFFFFEA0];
	[tilespmem:s0+$0x80] =	vst v0  }
0x93: {  	[tilespmem:s0+$0xFFFFFF00] =	vst v1;
	v0 =	vld [tilespmem:s28+$0xFFFFFFD0];
	v1 =	vadd.f32 v4, v2  }
0x94: {  	v2 =	vld [tilespmem:s28+$0xFFFFFF10]  }
0x95: {  	v4 =	vld [tilespmem:s21+$0xFFFFFE20];
	v5 =	vadd.f32 v7, v5;
	[tilespmem:s0+$0xE0] =	vst v1  }
0x96: {  	v1 =	vld [tilespmem:s28+$0xF0]  }
0x97: {  	[tilespmem:s0+$0xFFFFFF50] =	vst v5;
	v3 =	vadd.f32 v6, v3;
	v5 =	vld [tilespmem:s21+$0x0]  }
0x98: {  	v6 =	vld [tilespmem:s21+$0xFFFFFEE0]  }
0x99: {  	[tilespmem:s0+$0xFFFFFF90] =	vst v3;
	v3 =	vld [tilespmem:s28+$0x10]  }
0x9a: {  	v2 =	vadd.f32 v4, v2;
	v4 =	vld [tilespmem:s21+$0xFFFFFF20]  }
0x9b: {  	v7 =	vld [tilespmem:s28+$0x50]  }
0x9c: {  	[tilespmem:s0+$0xFFFFFF10] =	vst v2;
	v2 =	vld [tilespmem:s21+$0xFFFFFF60];
	v1 =	vadd.f32 v5, v1  }
0x9d: {  	v0 =	vadd.f32 v6, v0;
	v5 =	vld [tilespmem:s28+$0x90]  }
0x9e: {  	v6 =	vld [tilespmem:s21+$0xFFFFFFA0];
	[tilespmem:s0+$0xF0] =	vst v1  }
0x9f: {  	v1 =	vld [tilespmem:s28+$0xFFFFFF20];
	[tilespmem:s0+$0xFFFFFFD0] =	vst v0;
	v0 =	vadd.f32 v4, v3  }
0xa0: {  	v3 =	vld [tilespmem:s21+$0xFFFFFE30]  }
0xa1: {  	v4 =	vld [tilespmem:s28+$0xFFFFFF60];
	[tilespmem:s0+$0x10] =	vst v0;
	v0 =	vadd.f32 v2, v7  }
0xa2: {  	v2 =	vld [tilespmem:s21+$0xFFFFFE70]  }
0xa3: {  	v7 =	vld [tilespmem:s28+$0xFFFFFFA0];
	[tilespmem:s0+$0x50] =	vst v0;
	v0 =	vadd.f32 v6, v5  }
0xa4: {  	v5 =	vld [tilespmem:s21+$0xFFFFFEB0]  }
0xa5: {  	v1 =	vadd.f32 v3, v1;
	v3 =	vld [tilespmem:s28+$0xFFFFFFE0];
	[tilespmem:s0+$0x90] =	vst v0  }
0xa6: {  	v0 =	vld [tilespmem:s21+$0xFFFFFEF0]  }
0xa7: {  	[tilespmem:s0+$0xFFFFFF20] =	vst v1;
	v1 =	vadd.f32 v2, v4;
	v2 =	vld [tilespmem:s28+$0x20]  }
0xa8: {  	v4 =	vld [tilespmem:s21+$0xFFFFFF30]  }
0xa9: {  	[tilespmem:s0+$0xFFFFFF60] =	vst v1;
	v1 =	vadd.f32 v5, v7;
	v5 =	vld [tilespmem:s28+$0x60]  }
0xaa: {  	v6 =	vld [tilespmem:s21+$0xFFFFFF70]  }
0xab: {  	[tilespmem:s0+$0xFFFFFFA0] =	vst v1;
	v0 =	vadd.f32 v0, v3;
	v1 =	vld [tilespmem:s28+$0xA0]  }
0xac: {  	v3 =	vld [tilespmem:s21+$0xFFFFFFB0]  }
0xad: {  	v7 =	vld [tilespmem:s28+$0xFFFFFF30];
	[tilespmem:s0+$0xFFFFFFE0] =	vst v0;
	v0 =	vadd.f32 v4, v2  }
0xae: {  	v2 =	vld [tilespmem:s21+$0xFFFFFE40]  }
0xaf: {  	v4 =	vld [tilespmem:s28+$0xFFFFFF70];
	[tilespmem:s0+$0x20] =	vst v0;
	v0 =	vadd.f32 v6, v5  }
0xb0: {  	v5 =	vld [tilespmem:s21+$0xFFFFFE80]  }
0xb1: {  	v6 =	vld [tilespmem:s28+$0xFFFFFFB0];
	[tilespmem:s0+$0x60] =	vst v0;
	v0 =	vadd.f32 v3, v1  }
0xb2: {  	v1 =	vld [tilespmem:s21+$0xFFFFFEC0]  }
0xb3: {  	v2 =	vadd.f32 v2, v7;
	v7 =	vld [tilespmem:s28+$0xFFFFFFF0];
	[tilespmem:s0+$0xA0] =	vst v0  }
0xb4: {  	v8 =	vld [tilespmem:s21+$0xFFFFFF00]  }
0xb5: {  	[tilespmem:s0+$0xFFFFFF30] =	vst v2;
	v3 =	vadd.f32 v5, v4;
	v0 =	vld [tilespmem:s28+$0x30]  }
.Ltmp2:
0xb6: {  	v2 =	vld [tilespmem:s21+$0xFFFFFF40];
	(pc) =	sbr.rel @p1 .LBB2_3-.Ltmp2, $4  }
0xb7: {  	[tilespmem:s0+$0xFFFFFF70] =	vst v3;
	v4 =	vadd.f32 v1, v6;
	v1 =	vld [tilespmem:s28+$0x70]  }
0xb8: {  	v3 =	vld [tilespmem:s21+$0xFFFFFF80]  }
0xb9: {  	[tilespmem:s0+$0xFFFFFFB0] =	vst v4;
	v6 =	vadd.f32 v8, v7;
	v4 =	vld [tilespmem:s28+$0xB0]  }
0xba: {  	s28 =	sadd.s32 $0x200, s28;
	v5 =	vld [tilespmem:s21+$0xFFFFFFC0]  }
0xbb: {  	_ =	sdelay $0x1  }
0xbc: {  	v0 =	vadd.f32 v2, v0;
	p1 =	sne.s32 s14, $0x27  }
.Ltmp3:
0xbd: {  	[tilespmem:s0+$0xFFFFFFF0] =	vst v6;
	v1 =	vadd.f32 v3, v1;
	(pc) =	sbr.rel @p1 .LBB2_6-.Ltmp3, $4  }
0xbe: {  	s21 =	sadd.s32 s6, s19;
	[tilespmem:s0+$0x30] =	vst v0;
	v63 =	vadd.f32 v5, v4  }
0xbf: {  	s21 =	sshll.u32 s21, $0x4;
	[tilespmem:s0+$0x70] =	vst v1  }
0xc0: {  	s28 =	simm.s32 $0x15400;
	s24 =	sadd.s32 s5, s21;
	[tilespmem:s0+$0xB0] =	vst v63  }
0xc1: {  	[hbm4b:s24+s17] =	stream.strided.scatter [tilespmem:s28], [sflag:$0x6], $0x2000, s18, s17, $0x38;
	[tilespmem:$0x1F400] =	vst v63  }
.Ltmp4:
0xc2: {  	(pc) =	sbr.rel .LBB2_7-.Ltmp4, $4  }
0xc3: {  	_ = 	snop  }
0xc4: {  	_ =	swait.ge [sflag:s20], $0x2000  }
0xc5: {  	[sflag:s20] =	ssyncset.done $0x0  }
0xc6: {  	[sflag:s20] =	ssyncadd.s32 $0xFFFFE000  }
.LBB2_6:
0xc7: {  	s0 =	smul.u32 $0xA00, s14;
	_ =	sdelay $0x1  }
0xc8: {  	s0 =	sshra.s32 s0, $0x2  }
.Ltmp5:
0xc9: {  	s21 =	simm.s32 $0xB400;
	s0 =	sadd.s32 $0x280, s0;
	(pc) =	sbr.rel @p0 .LBB2_8-.Ltmp5, $4  }
0xca: {  	[tilespmem:s21], [sflag:$0x1] =	stream.indirect.gather [hbm4b:s3+s18], $0x40, s0, s18, $0xb8;
	[tilespmem:$0x1F400] =	vst v63  }
0xcb: {  	_ =	swait.ge [sflag:s20], $0x2000  }
0xcc: {  	[sflag:s20] =	ssyncset.done $0x0  }
0xcd: {  	[sflag:s20] =	ssyncadd.s32 $0xFFFFE000  }
.LBB2_7:
0xce: {  	s0 =	simm.s32 $0x7  }
0xcf: {  	_ =	swait.ge [sflag:s0], $0x2000  }
0xd0: {  	[sflag:s0] =	ssyncset.done $0x0  }
0xd1: {  	[sflag:s0] =	ssyncadd.s32 $0xFFFFE000  }
.LBB2_8:
0xd2: {  	v1 =	vld [tilespmem:s29+$0xFFFFFFD0]  }
0xd3: {  	v2 =	vld [tilespmem:s29+$0xFFFFFE10]  }
0xd4: {  	v4 =	vld [tilespmem:s29+$0xFFFFFE50]  }
0xd5: {  	v6 =	vld [tilespmem:s29+$0xFFFFFE90]  }
0xd6: {  	v7 =	vld [tilespmem:s29+$0xFFFFFED0]  }
0xd7: {  	s21 =	simm.s32 $0xD500;
	v10 =	vld [tilespmem:s29+$0xFFFFFF10]  }
0xd8: {  	v0 =	vld [tilespmem:s21+$0xC0]  }
0xd9: {  	v12 =	vld [tilespmem:s29+$0xFFFFFF50]  }
0xda: {  	v3 =	vld [tilespmem:s21+$0xFFFFFF40]  }
0xdb: {  	v5 =	vld [tilespmem:s21+$0xFFFFFF80]  }
0xdc: {  	v9 =	vld [tilespmem:s21+$0x0]  }
0xdd: {  	v11 =	vld [tilespmem:s21+$0x40];
	v0 =	vadd.f32 v1, v0  }
0xde: {  	s0 =	simm.s32 $0x17500;
	v1 =	vld [tilespmem:s21+$0xFFFFFFC0]  }
0xdf: {  	v3 =	vadd.f32 v4, v3;
	v4 =	vld [tilespmem:s21+$0xFFFFFF00];
	[tilespmem:s0+$0xC0] =	vst v0  }
0xe0: {  	v0 =	vld [tilespmem:s21+$0xD0]  }
0xe1: {  	v8 =	vld [tilespmem:s29+$0xFFFFFFE0]  }
0xe2: {  	v13 =	vld [tilespmem:s21+$0x80];
	[tilespmem:s0+$0xFFFFFF40] =	vst v3;
	v3 =	vadd.f32 v6, v5  }
0xe3: {  	v6 =	vld [tilespmem:s21+$0xFFFFFF50]  }
0xe4: {  	[tilespmem:s0+$0xFFFFFF80] =	vst v3;
	v3 =	vld [tilespmem:s29+$0xFFFFFE60];
	v1 =	vadd.f32 v7, v1  }
0xe5: {  	v2 =	vadd.f32 v2, v4;
	v4 =	vld [tilespmem:s21+$0xFFFFFF90]  }
0xe6: {  	[tilespmem:s0+$0xFFFFFFC0] =	vst v1;
	v1 =	vld [tilespmem:s29+$0xFFFFFEA0];
	v0 =	vadd.f32 v8, v0  }
0xe7: {  	[tilespmem:s0+$0xFFFFFF00] =	vst v2;
	v2 =	vld [tilespmem:s21+$0xFFFFFFD0]  }
0xe8: {  	v55 =	vld [tilespmem:s29+$0xFFFFFEE0];
	[tilespmem:s0+$0xD0] =	vst v0  }
0xe9: {  	v3 =	vadd.f32 v3, v6;
	v0 =	vld [tilespmem:s21+$0xE0]  }
0xea: {  	v5 =	vld [tilespmem:s29+$0xFFFFFFF0]  }
0xeb: {  	v8 =	vld [tilespmem:s29+$0xFFFFFF90];
	[tilespmem:s0+$0xFFFFFF50] =	vst v3;
	v1 =	vadd.f32 v1, v4  }
0xec: {  	v4 =	vld [tilespmem:s21+$0xFFFFFF60]  }
0xed: {  	[tilespmem:s0+$0xFFFFFF90] =	vst v1;
	v1 =	vadd.f32 v55, v2;
	v2 =	vld [tilespmem:s29+$0xFFFFFE70]  }
0xee: {  	v7 =	vld [tilespmem:s29+$0xFFFFFE20]  }
0xef: {  	v58 =	vld [tilespmem:s21+$0xFFFFFFA0];
	v0 =	vadd.f32 v5, v0  }
0xf0: {  	v5 =	vld [tilespmem:s21+$0xFFFFFF10];
	[tilespmem:s0+$0xFFFFFFD0] =	vst v1  }
0xf1: {  	v59 =	vld [tilespmem:s21+$0xFFFFFFE0];
	[tilespmem:s0+$0xE0] =	vst v0;
	v0 =	vadd.f32 v10, v9  }
0xf2: {  	v53 =	vld [tilespmem:s21+$0xF0];
	v2 =	vadd.f32 v2, v4  }
0xf3: {  	v54 =	vld [tilespmem:s29+$0x0];
	[tilespmem:s0+$0x0] =	vst v0;
	v0 =	vadd.f32 v12, v11  }
0xf4: {  	v56 =	vld [tilespmem:s21+$0x10];
	[tilespmem:s0+$0xFFFFFF60] =	vst v2  }
0xf5: {  	[tilespmem:s0+$0x40] =	vst v0;
	v0 =	vadd.f32 v8, v13;
	v8 =	vld [tilespmem:s29+$0xFFFFFF20]  }
0xf6: {  	v61 =	vld [tilespmem:s21+$0xFFFFFF70]  }
0xf7: {  	v57 =	vld [tilespmem:s21+$0x50]  }
0xf8: {  	[tilespmem:s0+$0x80] =	vst v0;
	v0 =	vadd.f32 v7, v5;
	v5 =	vld [tilespmem:s29+$0xFFFFFF60]  }
0xf9: {  	v7 =	vld [tilespmem:s21+$0x90]  }
0xfa: {  	[tilespmem:s0+$0xFFFFFF10] =	vst v0;
	v0 =	vld [tilespmem:s29+$0xFFFFFFA0]  }
0xfb: {  	v6 =	vld [tilespmem:s21+$0xFFFFFF20]  }
0xfc: {  	v3 =	vld [tilespmem:s29+$0xFFFFFE30];
	v1 =	vadd.f32 v8, v56  }
0xfd: {  	v8 =	vld [tilespmem:s29+$0xFFFFFEB0]  }
0xfe: {  	[tilespmem:s0+$0x10] =	vst v1;
	v1 =	vadd.f32 v5, v57;
	v5 =	vld [tilespmem:s29+$0xFFFFFEF0]  }
0xff: {  	v60 =	vld [tilespmem:s21+$0x20]  }
0x100: {  	[tilespmem:s0+$0x50] =	vst v1;
	v0 =	vadd.f32 v0, v7;
	v1 =	vld [tilespmem:s29+$0xFFFFFF30]  }
0x101: {  	v7 =	vld [tilespmem:s21+$0x60]  }
0x102: {  	v3 =	vadd.f32 v3, v6;
	[tilespmem:s0+$0x90] =	vst v0;
	v0 =	vld [tilespmem:s29+$0xFFFFFF70]  }
0x103: {  	v2 =	vadd.f32 v8, v58;
	v6 =	vld [tilespmem:s21+$0xA0]  }
0x104: {  	[tilespmem:s0+$0xFFFFFF20] =	vst v3;
	v3 =	vld [tilespmem:s29+$0xFFFFFFB0]  }
0x105: {  	[tilespmem:s0+$0xFFFFFFA0] =	vst v2;
	v2 =	vadd.f32 v5, v59;
	v5 =	vld [tilespmem:s29+$0xFFFFFE80]  }
0x106: {  	v4 =	vld [tilespmem:s21+$0xFFFFFF30]  }
0x107: {  	v8 =	vld [tilespmem:s29+$0xFFFFFE40]  }
0x108: {  	v62 =	vld [tilespmem:s21+$0xFFFFFFB0]  }
0x109: {  	[tilespmem:s0+$0xFFFFFFE0] =	vst v2;
	v1 =	vadd.f32 v1, v60;
	v2 =	vld [tilespmem:s29+$0xFFFFFEC0]  }
0x10a: {  	v9 =	vadd.f32 v54, v53;
	v63 =	vld [tilespmem:s21+$0xFFFFFFF0]  }
0x10b: {  	[tilespmem:s0+$0x20] =	vst v1;
	v1 =	vadd.f32 v0, v7;
	v7 =	vld [tilespmem:s29+$0xFFFFFF00]  }
0x10c: {  	[tilespmem:s0+$0xF0] =	vst v9;
	v6 =	vadd.f32 v3, v6;
	v0 =	vld [tilespmem:s21+$0x30]  }
0x10d: {  	v3 =	vld [tilespmem:s29+$0xFFFFFF40];
	[tilespmem:s0+$0x60] =	vst v1;
	v4 =	vadd.f32 v8, v4  }
0x10e: {  	[tilespmem:s0+$0xA0] =	vst v6;
	v1 =	vld [tilespmem:s21+$0x70];
	v6 =	vadd.f32 v2, v62  }
0x10f: {  	v5 =	vadd.f32 v5, v61;
	[tilespmem:s0+$0xFFFFFF30] =	vst v4;
	v4 =	vld [tilespmem:s29+$0xFFFFFF80]  }
0x110: {  	v2 =	vld [tilespmem:s21+$0xB0];
	[tilespmem:s0+$0xFFFFFFB0] =	vst v6;
	v6 =	vadd.f32 v7, v63  }
0x111: {  	s24 =	simm.s32 $0x0;
	s28 =	simm.s32 $0xD700;
	[tilespmem:s0+$0xFFFFFF70] =	vst v5;
	s21 =	sadd.s32 $0x80, s19;
	v5 =	vld [tilespmem:s29+$0xFFFFFFC0]  }
.LBB2_9:
0x112: {  	v7 =	vld [tilespmem:s28+$0xC0];
	[tilespmem:s0+$0xFFFFFFF0] =	vst v6;
	v0 =	vadd.f32 v3, v0;
	s29 =	sadd.s32 $0x200, s29  }
0x113: {  	v3 =	vld [tilespmem:s29+$0xFFFFFFD0]  }
0x114: {  	v6 =	vld [tilespmem:s29+$0xFFFFFE10];
	[tilespmem:s0+$0x30] =	vst v0;
	v0 =	vadd.f32 v4, v1  }
0x115: {  	v1 =	vld [tilespmem:s28+$0xFFFFFF40]  }
0x116: {  	s24 =	sadd.s32 $0x8, s24;
	v4 =	vld [tilespmem:s29+$0xFFFFFE50];
	[tilespmem:s0+$0x70] =	vst v0;
	v0 =	vadd.f32 v5, v2  }
0x117: {  	p2 =	slt.u32 s24, $0x78;
	v2 =	vld [tilespmem:s28+$0xFFFFFF80]  }
0x118: {  	v5 =	vld [tilespmem:s29+$0xFFFFFE90];
	v3 =	vadd.f32 v3, v7;
	[tilespmem:s0+$0xB0] =	vst v0  }
0x119: {  	s0 =	sadd.s32 $0x200, s0;
	v0 =	vld [tilespmem:s28+$0xFFFFFFC0]  }
0x11a: {  	v7 =	vld [tilespmem:s29+$0xFFFFFED0];
	[tilespmem:s0+$0xC0] =	vst v3  }
0x11b: {  	v1 =	vadd.f32 v4, v1;
	v3 =	vld [tilespmem:s28+$0xD0]  }
0x11c: {  	v4 =	vld [tilespmem:s29+$0xFFFFFFE0]  }
0x11d: {  	[tilespmem:s0+$0xFFFFFF40] =	vst v1;
	v1 =	vadd.f32 v5, v2;
	v2 =	vld [tilespmem:s28+$0x0]  }
0x11e: {  	v5 =	vld [tilespmem:s29+$0xFFFFFF10]  }
0x11f: {  	[tilespmem:s0+$0xFFFFFF80] =	vst v1;
	v0 =	vadd.f32 v7, v0;
	v1 =	vld [tilespmem:s28+$0x40]  }
0x120: {  	v7 =	vld [tilespmem:s29+$0xFFFFFF50]  }
0x121: {  	[tilespmem:s0+$0xFFFFFFC0] =	vst v0;
	v0 =	vld [tilespmem:s28+$0x80];
	v3 =	vadd.f32 v4, v3  }
0x122: {  	v4 =	vld [tilespmem:s29+$0xFFFFFF90]  }
0x123: {  	v8 =	vld [tilespmem:s28+$0xFFFFFF00];
	v2 =	vadd.f32 v5, v2;
	[tilespmem:s0+$0xD0] =	vst v3  }
0x124: {  	v3 =	vld [tilespmem:s28+$0xE0]  }
0x125: {  	[tilespmem:s0+$0x0] =	vst v2;
	v1 =	vadd.f32 v7, v1;
	v2 =	vld [tilespmem:s29+$0xFFFFFFF0]  }
0x126: {  	v5 =	vld [tilespmem:s28+$0xFFFFFF50]  }
0x127: {  	v7 =	vld [tilespmem:s29+$0xFFFFFE60];
	[tilespmem:s0+$0x40] =	vst v1;
	v0 =	vadd.f32 v4, v0  }
0x128: {  	v1 =	vadd.f32 v6, v8;
	v4 =	vld [tilespmem:s28+$0xFFFFFF90]  }
0x129: {  	v6 =	vld [tilespmem:s29+$0xFFFFFEA0];
	[tilespmem:s0+$0x80] =	vst v0  }
0x12a: {  	[tilespmem:s0+$0xFFFFFF00] =	vst v1;
	v0 =	vld [tilespmem:s28+$0xFFFFFFD0];
	v1 =	vadd.f32 v2, v3  }
0x12b: {  	v2 =	vld [tilespmem:s28+$0xFFFFFF10]  }
0x12c: {  	v3 =	vld [tilespmem:s29+$0xFFFFFE20];
	v5 =	vadd.f32 v7, v5;
	[tilespmem:s0+$0xE0] =	vst v1  }
0x12d: {  	v1 =	vld [tilespmem:s28+$0xF0]  }
0x12e: {  	[tilespmem:s0+$0xFFFFFF50] =	vst v5;
	v4 =	vadd.f32 v6, v4;
	v5 =	vld [tilespmem:s29+$0x0]  }
0x12f: {  	v6 =	vld [tilespmem:s29+$0xFFFFFEE0]  }
0x130: {  	[tilespmem:s0+$0xFFFFFF90] =	vst v4;
	v4 =	vld [tilespmem:s28+$0x10]  }
0x131: {  	v2 =	vadd.f32 v3, v2;
	v3 =	vld [tilespmem:s29+$0xFFFFFF20]  }
0x132: {  	v7 =	vld [tilespmem:s28+$0x50]  }
0x133: {  	[tilespmem:s0+$0xFFFFFF10] =	vst v2;
	v2 =	vld [tilespmem:s29+$0xFFFFFF60];
	v1 =	vadd.f32 v5, v1  }
0x134: {  	v0 =	vadd.f32 v6, v0;
	v5 =	vld [tilespmem:s28+$0x90]  }
0x135: {  	v6 =	vld [tilespmem:s29+$0xFFFFFFA0];
	[tilespmem:s0+$0xF0] =	vst v1  }
0x136: {  	v1 =	vld [tilespmem:s28+$0xFFFFFF20];
	[tilespmem:s0+$0xFFFFFFD0] =	vst v0;
	v0 =	vadd.f32 v3, v4  }
0x137: {  	v3 =	vld [tilespmem:s29+$0xFFFFFE30]  }
0x138: {  	v4 =	vld [tilespmem:s28+$0xFFFFFF60];
	[tilespmem:s0+$0x10] =	vst v0;
	v0 =	vadd.f32 v2, v7  }
0x139: {  	v2 =	vld [tilespmem:s29+$0xFFFFFE70]  }
0x13a: {  	v7 =	vld [tilespmem:s28+$0xFFFFFFA0];
	[tilespmem:s0+$0x50] =	vst v0;
	v0 =	vadd.f32 v6, v5  }
0x13b: {  	v5 =	vld [tilespmem:s29+$0xFFFFFEB0]  }
0x13c: {  	v1 =	vadd.f32 v3, v1;
	v3 =	vld [tilespmem:s28+$0xFFFFFFE0];
	[tilespmem:s0+$0x90] =	vst v0  }
0x13d: {  	v0 =	vld [tilespmem:s29+$0xFFFFFEF0]  }
0x13e: {  	[tilespmem:s0+$0xFFFFFF20] =	vst v1;
	v1 =	vadd.f32 v2, v4;
	v2 =	vld [tilespmem:s28+$0x20]  }
0x13f: {  	v4 =	vld [tilespmem:s29+$0xFFFFFF30]  }
0x140: {  	[tilespmem:s0+$0xFFFFFF60] =	vst v1;
	v1 =	vadd.f32 v5, v7;
	v5 =	vld [tilespmem:s28+$0x60]  }
0x141: {  	v6 =	vld [tilespmem:s29+$0xFFFFFF70]  }
0x142: {  	[tilespmem:s0+$0xFFFFFFA0] =	vst v1;
	v0 =	vadd.f32 v0, v3;
	v1 =	vld [tilespmem:s28+$0xA0]  }
0x143: {  	v3 =	vld [tilespmem:s29+$0xFFFFFFB0]  }
0x144: {  	v7 =	vld [tilespmem:s28+$0xFFFFFF30];
	[tilespmem:s0+$0xFFFFFFE0] =	vst v0;
	v0 =	vadd.f32 v4, v2  }
0x145: {  	v2 =	vld [tilespmem:s29+$0xFFFFFE40]  }
0x146: {  	v4 =	vld [tilespmem:s28+$0xFFFFFF70];
	[tilespmem:s0+$0x20] =	vst v0;
	v0 =	vadd.f32 v6, v5  }
0x147: {  	v5 =	vld [tilespmem:s29+$0xFFFFFE80]  }
0x148: {  	v6 =	vld [tilespmem:s28+$0xFFFFFFB0];
	[tilespmem:s0+$0x60] =	vst v0;
	v0 =	vadd.f32 v3, v1  }
0x149: {  	v1 =	vld [tilespmem:s29+$0xFFFFFEC0]  }
0x14a: {  	v2 =	vadd.f32 v2, v7;
	v7 =	vld [tilespmem:s28+$0xFFFFFFF0];
	[tilespmem:s0+$0xA0] =	vst v0  }
0x14b: {  	v8 =	vld [tilespmem:s29+$0xFFFFFF00]  }
0x14c: {  	[tilespmem:s0+$0xFFFFFF30] =	vst v2;
	v2 =	vadd.f32 v5, v4;
	v0 =	vld [tilespmem:s28+$0x30]  }
.Ltmp6:
0x14d: {  	v3 =	vld [tilespmem:s29+$0xFFFFFF40];
	(pc) =	sbr.rel @p2 .LBB2_9-.Ltmp6, $4  }
0x14e: {  	[tilespmem:s0+$0xFFFFFF70] =	vst v2;
	v2 =	vadd.f32 v1, v6;
	v1 =	vld [tilespmem:s28+$0x70]  }
0x14f: {  	v4 =	vld [tilespmem:s29+$0xFFFFFF80]  }
0x150: {  	[tilespmem:s0+$0xFFFFFFB0] =	vst v2;
	v6 =	vadd.f32 v8, v7;
	v2 =	vld [tilespmem:s28+$0xB0]  }
0x151: {  	s28 =	sadd.s32 $0x200, s28;
	v5 =	vld [tilespmem:s29+$0xFFFFFFC0]  }
0x152: {  	_ =	sdelay $0x1  }
0x153: {  	v0 =	vadd.f32 v3, v0  }
.Ltmp7:
0x154: {  	[tilespmem:s0+$0xFFFFFFF0] =	vst v6;
	s21 =	sadd.s32 s6, s21;
	v1 =	vadd.f32 v4, v1;
	(pc) =	sbr.rel @p1 .LBB2_12-.Ltmp7, $4  }
0x155: {  	s21 =	sshll.u32 s21, $0x4;
	[tilespmem:s0+$0x30] =	vst v0;
	v63 =	vadd.f32 v5, v2  }
0x156: {  	s21 =	sand.u32 $0x1FFFF800, s21;
	[tilespmem:s0+$0x70] =	vst v1  }
0x157: {  	s29 =	simm.s32 $0x17400;
	s28 =	sadd.s32 s5, s21;
	[tilespmem:s0+$0xB0] =	vst v63  }
0x158: {  	[hbm4b:s28+s17] =	stream.strided.scatter [tilespmem:s29], [sflag:$0x7], $0x2000, s18, s17, $0x38;
	[tilespmem:$0x1F400] =	vst v63  }
.Ltmp8:
0x159: {  	(pc) =	sbr.rel .LBB2_13-.Ltmp8, $4  }
0x15a: {  	_ = 	snop  }
0x15b: {  	_ =	swait.ge [sflag:s23], $0x2000  }
0x15c: {  	[sflag:s23] =	ssyncset.done $0x0  }
0x15d: {  	[sflag:s23] =	ssyncadd.s32 $0xFFFFE000  }
.LBB2_12:
0x15e: {  	s0 =	smul.u32 $0xA00, s14;
	_ =	sdelay $0x1  }
0x15f: {  	s0 =	sshra.s32 s0, $0x2  }
.Ltmp9:
0x160: {  	s21 =	simm.s32 $0xD400;
	s0 =	sadd.s32 $0x300, s0;
	(pc) =	sbr.rel @p0 .LBB2_14-.Ltmp9, $4  }
0x161: {  	[tilespmem:s21], [sflag:$0x2] =	stream.indirect.gather [hbm4b:s3+s18], $0x40, s0, s18, $0xb8;
	[tilespmem:$0x1F400] =	vst v63  }
0x162: {  	_ =	swait.ge [sflag:s23], $0x2000  }
0x163: {  	[sflag:s23] =	ssyncset.done $0x0  }
0x164: {  	[sflag:s23] =	ssyncadd.s32 $0xFFFFE000  }
.LBB2_13:
0x165: {  	s0 =	simm.s32 $0x8  }
0x166: {  	_ =	swait.ge [sflag:s0], $0x2000  }
0x167: {  	[sflag:s0] =	ssyncset.done $0x0  }
0x168: {  	[sflag:s0] =	ssyncadd.s32 $0xFFFFE000  }
.LBB2_14:
0x169: {  	v1 =	vld [tilespmem:s25+$0xFFFFFFD0]  }
0x16a: {  	v2 =	vld [tilespmem:s25+$0xFFFFFE10]  }
0x16b: {  	v4 =	vld [tilespmem:s25+$0xFFFFFE50]  }
0x16c: {  	v6 =	vld [tilespmem:s25+$0xFFFFFE90]  }
0x16d: {  	v7 =	vld [tilespmem:s25+$0xFFFFFED0]  }
0x16e: {  	s21 =	simm.s32 $0xF500;
	v10 =	vld [tilespmem:s25+$0xFFFFFF10]  }
0x16f: {  	v0 =	vld [tilespmem:s21+$0xC0]  }
0x170: {  	v12 =	vld [tilespmem:s25+$0xFFFFFF50]  }
0x171: {  	v3 =	vld [tilespmem:s21+$0xFFFFFF40]  }
0x172: {  	v5 =	vld [tilespmem:s21+$0xFFFFFF80]  }
0x173: {  	v9 =	vld [tilespmem:s21+$0x0]  }
0x174: {  	v11 =	vld [tilespmem:s21+$0x40];
	v0 =	vadd.f32 v1, v0  }
0x175: {  	s0 =	simm.s32 $0x19500;
	v1 =	vld [tilespmem:s21+$0xFFFFFFC0]  }
0x176: {  	v3 =	vadd.f32 v4, v3;
	v4 =	vld [tilespmem:s21+$0xFFFFFF00];
	[tilespmem:s0+$0xC0] =	vst v0  }
0x177: {  	v0 =	vld [tilespmem:s21+$0xD0]  }
0x178: {  	v8 =	vld [tilespmem:s25+$0xFFFFFFE0]  }
0x179: {  	v13 =	vld [tilespmem:s21+$0x80];
	[tilespmem:s0+$0xFFFFFF40] =	vst v3;
	v3 =	vadd.f32 v6, v5  }
0x17a: {  	v6 =	vld [tilespmem:s21+$0xFFFFFF50]  }
0x17b: {  	[tilespmem:s0+$0xFFFFFF80] =	vst v3;
	v3 =	vld [tilespmem:s25+$0xFFFFFE60];
	v1 =	vadd.f32 v7, v1  }
0x17c: {  	v2 =	vadd.f32 v2, v4;
	v4 =	vld [tilespmem:s21+$0xFFFFFF90]  }
0x17d: {  	[tilespmem:s0+$0xFFFFFFC0] =	vst v1;
	v1 =	vld [tilespmem:s25+$0xFFFFFEA0];
	v0 =	vadd.f32 v8, v0  }
0x17e: {  	[tilespmem:s0+$0xFFFFFF00] =	vst v2;
	v2 =	vld [tilespmem:s21+$0xFFFFFFD0]  }
0x17f: {  	v55 =	vld [tilespmem:s25+$0xFFFFFEE0];
	[tilespmem:s0+$0xD0] =	vst v0  }
0x180: {  	v3 =	vadd.f32 v3, v6;
	v0 =	vld [tilespmem:s21+$0xE0]  }
0x181: {  	v5 =	vld [tilespmem:s25+$0xFFFFFFF0]  }
0x182: {  	v8 =	vld [tilespmem:s25+$0xFFFFFF90];
	[tilespmem:s0+$0xFFFFFF50] =	vst v3;
	v1 =	vadd.f32 v1, v4  }
0x183: {  	v4 =	vld [tilespmem:s21+$0xFFFFFF60]  }
0x184: {  	[tilespmem:s0+$0xFFFFFF90] =	vst v1;
	v1 =	vadd.f32 v55, v2;
	v2 =	vld [tilespmem:s25+$0xFFFFFE70]  }
0x185: {  	v7 =	vld [tilespmem:s25+$0xFFFFFE20]  }
0x186: {  	v58 =	vld [tilespmem:s21+$0xFFFFFFA0];
	v0 =	vadd.f32 v5, v0  }
0x187: {  	v5 =	vld [tilespmem:s21+$0xFFFFFF10];
	[tilespmem:s0+$0xFFFFFFD0] =	vst v1  }
0x188: {  	v59 =	vld [tilespmem:s21+$0xFFFFFFE0];
	[tilespmem:s0+$0xE0] =	vst v0;
	v0 =	vadd.f32 v10, v9  }
0x189: {  	v53 =	vld [tilespmem:s21+$0xF0];
	v2 =	vadd.f32 v2, v4  }
0x18a: {  	v54 =	vld [tilespmem:s25+$0x0];
	[tilespmem:s0+$0x0] =	vst v0;
	v0 =	vadd.f32 v12, v11  }
0x18b: {  	v56 =	vld [tilespmem:s21+$0x10];
	[tilespmem:s0+$0xFFFFFF60] =	vst v2  }
0x18c: {  	[tilespmem:s0+$0x40] =	vst v0;
	v0 =	vadd.f32 v8, v13;
	v8 =	vld [tilespmem:s25+$0xFFFFFF20]  }
0x18d: {  	v61 =	vld [tilespmem:s21+$0xFFFFFF70]  }
0x18e: {  	v57 =	vld [tilespmem:s21+$0x50]  }
0x18f: {  	[tilespmem:s0+$0x80] =	vst v0;
	v0 =	vadd.f32 v7, v5;
	v5 =	vld [tilespmem:s25+$0xFFFFFF60]  }
0x190: {  	v7 =	vld [tilespmem:s21+$0x90]  }
0x191: {  	[tilespmem:s0+$0xFFFFFF10] =	vst v0;
	v0 =	vld [tilespmem:s25+$0xFFFFFFA0]  }
0x192: {  	v6 =	vld [tilespmem:s21+$0xFFFFFF20]  }
0x193: {  	v3 =	vld [tilespmem:s25+$0xFFFFFE30];
	v1 =	vadd.f32 v8, v56  }
0x194: {  	v8 =	vld [tilespmem:s25+$0xFFFFFEB0]  }
0x195: {  	[tilespmem:s0+$0x10] =	vst v1;
	v1 =	vadd.f32 v5, v57;
	v5 =	vld [tilespmem:s25+$0xFFFFFEF0]  }
0x196: {  	v60 =	vld [tilespmem:s21+$0x20]  }
0x197: {  	[tilespmem:s0+$0x50] =	vst v1;
	v0 =	vadd.f32 v0, v7;
	v1 =	vld [tilespmem:s25+$0xFFFFFF30]  }
0x198: {  	v7 =	vld [tilespmem:s21+$0x60]  }
0x199: {  	v3 =	vadd.f32 v3, v6;
	[tilespmem:s0+$0x90] =	vst v0;
	v0 =	vld [tilespmem:s25+$0xFFFFFF70]  }
0x19a: {  	v2 =	vadd.f32 v8, v58;
	v6 =	vld [tilespmem:s21+$0xA0]  }
0x19b: {  	[tilespmem:s0+$0xFFFFFF20] =	vst v3;
	v3 =	vld [tilespmem:s25+$0xFFFFFFB0]  }
0x19c: {  	[tilespmem:s0+$0xFFFFFFA0] =	vst v2;
	v2 =	vadd.f32 v5, v59;
	v5 =	vld [tilespmem:s25+$0xFFFFFE80]  }
0x19d: {  	v4 =	vld [tilespmem:s21+$0xFFFFFF30]  }
0x19e: {  	v8 =	vld [tilespmem:s25+$0xFFFFFE40]  }
0x19f: {  	v62 =	vld [tilespmem:s21+$0xFFFFFFB0]  }
0x1a0: {  	[tilespmem:s0+$0xFFFFFFE0] =	vst v2;
	v1 =	vadd.f32 v1, v60;
	v2 =	vld [tilespmem:s25+$0xFFFFFEC0]  }
0x1a1: {  	v9 =	vadd.f32 v54, v53;
	v63 =	vld [tilespmem:s21+$0xFFFFFFF0]  }
0x1a2: {  	[tilespmem:s0+$0x20] =	vst v1;
	v1 =	vadd.f32 v0, v7;
	v7 =	vld [tilespmem:s25+$0xFFFFFF00]  }
0x1a3: {  	[tilespmem:s0+$0xF0] =	vst v9;
	v6 =	vadd.f32 v3, v6;
	v0 =	vld [tilespmem:s21+$0x30]  }
0x1a4: {  	v3 =	vld [tilespmem:s25+$0xFFFFFF40];
	[tilespmem:s0+$0x60] =	vst v1;
	v4 =	vadd.f32 v8, v4  }
0x1a5: {  	[tilespmem:s0+$0xA0] =	vst v6;
	v1 =	vld [tilespmem:s21+$0x70];
	v6 =	vadd.f32 v2, v62  }
0x1a6: {  	v5 =	vadd.f32 v5, v61;
	[tilespmem:s0+$0xFFFFFF30] =	vst v4;
	v4 =	vld [tilespmem:s25+$0xFFFFFF80]  }
0x1a7: {  	v2 =	vld [tilespmem:s21+$0xB0];
	[tilespmem:s0+$0xFFFFFFB0] =	vst v6;
	v6 =	vadd.f32 v7, v63  }
0x1a8: {  	s24 =	simm.s32 $0x0;
	s28 =	simm.s32 $0xF700;
	[tilespmem:s0+$0xFFFFFF70] =	vst v5;
	s21 =	sadd.s32 $0x100, s19;
	v5 =	vld [tilespmem:s25+$0xFFFFFFC0]  }
.LBB2_15:
0x1a9: {  	v7 =	vld [tilespmem:s28+$0xC0];
	[tilespmem:s0+$0xFFFFFFF0] =	vst v6;
	v0 =	vadd.f32 v3, v0;
	s25 =	sadd.s32 $0x200, s25  }
0x1aa: {  	v3 =	vld [tilespmem:s25+$0xFFFFFFD0]  }
0x1ab: {  	v6 =	vld [tilespmem:s25+$0xFFFFFE10];
	[tilespmem:s0+$0x30] =	vst v0;
	v0 =	vadd.f32 v4, v1  }
0x1ac: {  	v1 =	vld [tilespmem:s28+$0xFFFFFF40]  }
0x1ad: {  	s24 =	sadd.s32 $0x8, s24;
	v4 =	vld [tilespmem:s25+$0xFFFFFE50];
	[tilespmem:s0+$0x70] =	vst v0;
	v0 =	vadd.f32 v5, v2  }
0x1ae: {  	p2 =	slt.u32 s24, $0x78;
	v2 =	vld [tilespmem:s28+$0xFFFFFF80]  }
0x1af: {  	v5 =	vld [tilespmem:s25+$0xFFFFFE90];
	v3 =	vadd.f32 v3, v7;
	[tilespmem:s0+$0xB0] =	vst v0  }
0x1b0: {  	s0 =	sadd.s32 $0x200, s0;
	v0 =	vld [tilespmem:s28+$0xFFFFFFC0]  }
0x1b1: {  	v7 =	vld [tilespmem:s25+$0xFFFFFED0];
	[tilespmem:s0+$0xC0] =	vst v3  }
0x1b2: {  	v1 =	vadd.f32 v4, v1;
	v3 =	vld [tilespmem:s28+$0xD0]  }
0x1b3: {  	v4 =	vld [tilespmem:s25+$0xFFFFFFE0]  }
0x1b4: {  	[tilespmem:s0+$0xFFFFFF40] =	vst v1;
	v1 =	vadd.f32 v5, v2;
	v2 =	vld [tilespmem:s28+$0x0]  }
0x1b5: {  	v5 =	vld [tilespmem:s25+$0xFFFFFF10]  }
0x1b6: {  	[tilespmem:s0+$0xFFFFFF80] =	vst v1;
	v0 =	vadd.f32 v7, v0;
	v1 =	vld [tilespmem:s28+$0x40]  }
0x1b7: {  	v7 =	vld [tilespmem:s25+$0xFFFFFF50]  }
0x1b8: {  	[tilespmem:s0+$0xFFFFFFC0] =	vst v0;
	v0 =	vld [tilespmem:s28+$0x80];
	v3 =	vadd.f32 v4, v3  }
0x1b9: {  	v4 =	vld [tilespmem:s25+$0xFFFFFF90]  }
0x1ba: {  	v8 =	vld [tilespmem:s28+$0xFFFFFF00];
	v2 =	vadd.f32 v5, v2;
	[tilespmem:s0+$0xD0] =	vst v3  }
0x1bb: {  	v3 =	vld [tilespmem:s28+$0xE0]  }
0x1bc: {  	[tilespmem:s0+$0x0] =	vst v2;
	v1 =	vadd.f32 v7, v1;
	v2 =	vld [tilespmem:s25+$0xFFFFFFF0]  }
0x1bd: {  	v5 =	vld [tilespmem:s28+$0xFFFFFF50]  }
0x1be: {  	v7 =	vld [tilespmem:s25+$0xFFFFFE60];
	[tilespmem:s0+$0x40] =	vst v1;
	v0 =	vadd.f32 v4, v0  }
0x1bf: {  	v1 =	vadd.f32 v6, v8;
	v4 =	vld [tilespmem:s28+$0xFFFFFF90]  }
0x1c0: {  	v6 =	vld [tilespmem:s25+$0xFFFFFEA0];
	[tilespmem:s0+$0x80] =	vst v0  }
0x1c1: {  	[tilespmem:s0+$0xFFFFFF00] =	vst v1;
	v0 =	vld [tilespmem:s28+$0xFFFFFFD0];
	v1 =	vadd.f32 v2, v3  }
0x1c2: {  	v2 =	vld [tilespmem:s28+$0xFFFFFF10]  }
0x1c3: {  	v3 =	vld [tilespmem:s25+$0xFFFFFE20];
	v5 =	vadd.f32 v7, v5;
	[tilespmem:s0+$0xE0] =	vst v1  }
0x1c4: {  	v1 =	vld [tilespmem:s28+$0xF0]  }
0x1c5: {  	[tilespmem:s0+$0xFFFFFF50] =	vst v5;
	v4 =	vadd.f32 v6, v4;
	v5 =	vld [tilespmem:s25+$0x0]  }
0x1c6: {  	v6 =	vld [tilespmem:s25+$0xFFFFFEE0]  }
0x1c7: {  	[tilespmem:s0+$0xFFFFFF90] =	vst v4;
	v4 =	vld [tilespmem:s28+$0x10]  }
0x1c8: {  	v2 =	vadd.f32 v3, v2;
	v3 =	vld [tilespmem:s25+$0xFFFFFF20]  }
0x1c9: {  	v7 =	vld [tilespmem:s28+$0x50]  }
0x1ca: {  	[tilespmem:s0+$0xFFFFFF10] =	vst v2;
	v2 =	vld [tilespmem:s25+$0xFFFFFF60];
	v1 =	vadd.f32 v5, v1  }
0x1cb: {  	v0 =	vadd.f32 v6, v0;
	v5 =	vld [tilespmem:s28+$0x90]  }
0x1cc: {  	v6 =	vld [tilespmem:s25+$0xFFFFFFA0];
	[tilespmem:s0+$0xF0] =	vst v1  }
0x1cd: {  	v1 =	vld [tilespmem:s28+$0xFFFFFF20];
	[tilespmem:s0+$0xFFFFFFD0] =	vst v0;
	v0 =	vadd.f32 v3, v4  }
0x1ce: {  	v3 =	vld [tilespmem:s25+$0xFFFFFE30]  }
0x1cf: {  	v4 =	vld [tilespmem:s28+$0xFFFFFF60];
	[tilespmem:s0+$0x10] =	vst v0;
	v0 =	vadd.f32 v2, v7  }
0x1d0: {  	v2 =	vld [tilespmem:s25+$0xFFFFFE70]  }
0x1d1: {  	v7 =	vld [tilespmem:s28+$0xFFFFFFA0];
	[tilespmem:s0+$0x50] =	vst v0;
	v0 =	vadd.f32 v6, v5  }
0x1d2: {  	v5 =	vld [tilespmem:s25+$0xFFFFFEB0]  }
0x1d3: {  	v1 =	vadd.f32 v3, v1;
	v3 =	vld [tilespmem:s28+$0xFFFFFFE0];
	[tilespmem:s0+$0x90] =	vst v0  }
0x1d4: {  	v0 =	vld [tilespmem:s25+$0xFFFFFEF0]  }
0x1d5: {  	[tilespmem:s0+$0xFFFFFF20] =	vst v1;
	v1 =	vadd.f32 v2, v4;
	v2 =	vld [tilespmem:s28+$0x20]  }
0x1d6: {  	v4 =	vld [tilespmem:s25+$0xFFFFFF30]  }
0x1d7: {  	[tilespmem:s0+$0xFFFFFF60] =	vst v1;
	v1 =	vadd.f32 v5, v7;
	v5 =	vld [tilespmem:s28+$0x60]  }
0x1d8: {  	v6 =	vld [tilespmem:s25+$0xFFFFFF70]  }
0x1d9: {  	[tilespmem:s0+$0xFFFFFFA0] =	vst v1;
	v0 =	vadd.f32 v0, v3;
	v1 =	vld [tilespmem:s28+$0xA0]  }
0x1da: {  	v3 =	vld [tilespmem:s25+$0xFFFFFFB0]  }
0x1db: {  	v7 =	vld [tilespmem:s28+$0xFFFFFF30];
	[tilespmem:s0+$0xFFFFFFE0] =	vst v0;
	v0 =	vadd.f32 v4, v2  }
0x1dc: {  	v2 =	vld [tilespmem:s25+$0xFFFFFE40]  }
0x1dd: {  	v4 =	vld [tilespmem:s28+$0xFFFFFF70];
	[tilespmem:s0+$0x20] =	vst v0;
	v0 =	vadd.f32 v6, v5  }
0x1de: {  	v5 =	vld [tilespmem:s25+$0xFFFFFE80]  }
0x1df: {  	v6 =	vld [tilespmem:s28+$0xFFFFFFB0];
	[tilespmem:s0+$0x60] =	vst v0;
	v0 =	vadd.f32 v3, v1  }
0x1e0: {  	v1 =	vld [tilespmem:s25+$0xFFFFFEC0]  }
0x1e1: {  	v2 =	vadd.f32 v2, v7;
	v7 =	vld [tilespmem:s28+$0xFFFFFFF0];
	[tilespmem:s0+$0xA0] =	vst v0  }
0x1e2: {  	v8 =	vld [tilespmem:s25+$0xFFFFFF00]  }
0x1e3: {  	[tilespmem:s0+$0xFFFFFF30] =	vst v2;
	v2 =	vadd.f32 v5, v4;
	v0 =	vld [tilespmem:s28+$0x30]  }
.Ltmp10:
0x1e4: {  	v3 =	vld [tilespmem:s25+$0xFFFFFF40];
	(pc) =	sbr.rel @p2 .LBB2_15-.Ltmp10, $4  }
0x1e5: {  	[tilespmem:s0+$0xFFFFFF70] =	vst v2;
	v2 =	vadd.f32 v1, v6;
	v1 =	vld [tilespmem:s28+$0x70]  }
0x1e6: {  	v4 =	vld [tilespmem:s25+$0xFFFFFF80]  }
0x1e7: {  	[tilespmem:s0+$0xFFFFFFB0] =	vst v2;
	v6 =	vadd.f32 v8, v7;
	v2 =	vld [tilespmem:s28+$0xB0]  }
0x1e8: {  	s28 =	sadd.s32 $0x200, s28;
	v5 =	vld [tilespmem:s25+$0xFFFFFFC0]  }
0x1e9: {  	_ =	sdelay $0x1  }
0x1ea: {  	v0 =	vadd.f32 v3, v0  }
.Ltmp11:
0x1eb: {  	[tilespmem:s0+$0xFFFFFFF0] =	vst v6;
	s21 =	sadd.s32 s6, s21;
	v1 =	vadd.f32 v4, v1;
	(pc) =	sbr.rel @p1 .LBB2_18-.Ltmp11, $4  }
0x1ec: {  	s21 =	sshll.u32 s21, $0x4;
	[tilespmem:s0+$0x30] =	vst v0;
	v63 =	vadd.f32 v5, v2  }
0x1ed: {  	s21 =	sand.u32 $0x1FFFF800, s21;
	[tilespmem:s0+$0x70] =	vst v1  }
0x1ee: {  	s29 =	simm.s32 $0x19400;
	s28 =	sadd.s32 s5, s21;
	[tilespmem:s0+$0xB0] =	vst v63  }
0x1ef: {  	[hbm4b:s28+s17] =	stream.strided.scatter [tilespmem:s29], [sflag:$0x8], $0x2000, s18, s17, $0x38;
	[tilespmem:$0x1F400] =	vst v63  }
.Ltmp12:
0x1f0: {  	(pc) =	sbr.rel .LBB2_19-.Ltmp12, $4  }
0x1f1: {  	_ = 	snop  }
0x1f2: {  	_ =	swait.ge [sflag:s26], $0x2000  }
0x1f3: {  	[sflag:s26] =	ssyncset.done $0x0  }
0x1f4: {  	[sflag:s26] =	ssyncadd.s32 $0xFFFFE000  }
.LBB2_18:
0x1f5: {  	s0 =	smul.u32 $0xA00, s14;
	_ =	sdelay $0x1  }
0x1f6: {  	s0 =	sshra.s32 s0, $0x2  }
.Ltmp13:
0x1f7: {  	s21 =	simm.s32 $0xF400;
	s0 =	sadd.s32 $0x380, s0;
	(pc) =	sbr.rel @p0 .LBB2_20-.Ltmp13, $4  }
0x1f8: {  	[tilespmem:s21], [sflag:$0x3] =	stream.indirect.gather [hbm4b:s3+s18], $0x40, s0, s18, $0xb8;
	[tilespmem:$0x1F400] =	vst v63  }
0x1f9: {  	_ =	swait.ge [sflag:s26], $0x2000  }
0x1fa: {  	[sflag:s26] =	ssyncset.done $0x0  }
0x1fb: {  	[sflag:s26] =	ssyncadd.s32 $0xFFFFE000  }
.LBB2_19:
0x1fc: {  	s0 =	simm.s32 $0x9  }
0x1fd: {  	_ =	swait.ge [sflag:s0], $0x2000  }
0x1fe: {  	[sflag:s0] =	ssyncset.done $0x0  }
0x1ff: {  	[sflag:s0] =	ssyncadd.s32 $0xFFFFE000  }
.LBB2_20:
0x200: {  	v1 =	vld [tilespmem:s22+$0xFFFFFFD0]  }
0x201: {  	v2 =	vld [tilespmem:s22+$0xFFFFFE10]  }
0x202: {  	v4 =	vld [tilespmem:s22+$0xFFFFFE50]  }
0x203: {  	v6 =	vld [tilespmem:s22+$0xFFFFFE90]  }
0x204: {  	v7 =	vld [tilespmem:s22+$0xFFFFFED0]  }
0x205: {  	s21 =	simm.s32 $0x11500;
	v10 =	vld [tilespmem:s22+$0xFFFFFF10]  }
0x206: {  	v0 =	vld [tilespmem:s21+$0xC0]  }
0x207: {  	v12 =	vld [tilespmem:s22+$0xFFFFFF50]  }
0x208: {  	v3 =	vld [tilespmem:s21+$0xFFFFFF40]  }
0x209: {  	v5 =	vld [tilespmem:s21+$0xFFFFFF80]  }
0x20a: {  	v9 =	vld [tilespmem:s21+$0x0]  }
0x20b: {  	v11 =	vld [tilespmem:s21+$0x40];
	v0 =	vadd.f32 v1, v0  }
0x20c: {  	s0 =	simm.s32 $0x1B500;
	v1 =	vld [tilespmem:s21+$0xFFFFFFC0]  }
0x20d: {  	v3 =	vadd.f32 v4, v3;
	v4 =	vld [tilespmem:s21+$0xFFFFFF00];
	[tilespmem:s0+$0xC0] =	vst v0  }
0x20e: {  	v0 =	vld [tilespmem:s21+$0xD0]  }
0x20f: {  	v8 =	vld [tilespmem:s22+$0xFFFFFFE0]  }
0x210: {  	v13 =	vld [tilespmem:s21+$0x80];
	[tilespmem:s0+$0xFFFFFF40] =	vst v3;
	v3 =	vadd.f32 v6, v5  }
0x211: {  	v6 =	vld [tilespmem:s21+$0xFFFFFF50]  }
0x212: {  	[tilespmem:s0+$0xFFFFFF80] =	vst v3;
	v3 =	vld [tilespmem:s22+$0xFFFFFE60];
	v1 =	vadd.f32 v7, v1  }
0x213: {  	v2 =	vadd.f32 v2, v4;
	v4 =	vld [tilespmem:s21+$0xFFFFFF90]  }
0x214: {  	[tilespmem:s0+$0xFFFFFFC0] =	vst v1;
	v1 =	vld [tilespmem:s22+$0xFFFFFEA0];
	v0 =	vadd.f32 v8, v0  }
0x215: {  	[tilespmem:s0+$0xFFFFFF00] =	vst v2;
	v2 =	vld [tilespmem:s21+$0xFFFFFFD0]  }
0x216: {  	v55 =	vld [tilespmem:s22+$0xFFFFFEE0];
	[tilespmem:s0+$0xD0] =	vst v0  }
0x217: {  	v3 =	vadd.f32 v3, v6;
	v0 =	vld [tilespmem:s21+$0xE0]  }
0x218: {  	v5 =	vld [tilespmem:s22+$0xFFFFFFF0]  }
0x219: {  	v8 =	vld [tilespmem:s22+$0xFFFFFF90];
	[tilespmem:s0+$0xFFFFFF50] =	vst v3;
	v1 =	vadd.f32 v1, v4  }
0x21a: {  	v4 =	vld [tilespmem:s21+$0xFFFFFF60]  }
0x21b: {  	[tilespmem:s0+$0xFFFFFF90] =	vst v1;
	v1 =	vadd.f32 v55, v2;
	v2 =	vld [tilespmem:s22+$0xFFFFFE70]  }
0x21c: {  	v7 =	vld [tilespmem:s22+$0xFFFFFE20]  }
0x21d: {  	v58 =	vld [tilespmem:s21+$0xFFFFFFA0];
	v0 =	vadd.f32 v5, v0  }
0x21e: {  	v5 =	vld [tilespmem:s21+$0xFFFFFF10];
	[tilespmem:s0+$0xFFFFFFD0] =	vst v1  }
0x21f: {  	v59 =	vld [tilespmem:s21+$0xFFFFFFE0];
	[tilespmem:s0+$0xE0] =	vst v0;
	v0 =	vadd.f32 v10, v9  }
0x220: {  	v53 =	vld [tilespmem:s21+$0xF0];
	v2 =	vadd.f32 v2, v4  }
0x221: {  	v54 =	vld [tilespmem:s22+$0x0];
	[tilespmem:s0+$0x0] =	vst v0;
	v0 =	vadd.f32 v12, v11  }
0x222: {  	v56 =	vld [tilespmem:s21+$0x10];
	[tilespmem:s0+$0xFFFFFF60] =	vst v2  }
0x223: {  	[tilespmem:s0+$0x40] =	vst v0;
	v0 =	vadd.f32 v8, v13;
	v8 =	vld [tilespmem:s22+$0xFFFFFF20]  }
0x224: {  	v61 =	vld [tilespmem:s21+$0xFFFFFF70]  }
0x225: {  	v57 =	vld [tilespmem:s21+$0x50]  }
0x226: {  	[tilespmem:s0+$0x80] =	vst v0;
	v0 =	vadd.f32 v7, v5;
	v5 =	vld [tilespmem:s22+$0xFFFFFF60]  }
0x227: {  	v7 =	vld [tilespmem:s21+$0x90]  }
0x228: {  	[tilespmem:s0+$0xFFFFFF10] =	vst v0;
	v0 =	vld [tilespmem:s22+$0xFFFFFFA0]  }
0x229: {  	v6 =	vld [tilespmem:s21+$0xFFFFFF20]  }
0x22a: {  	v3 =	vld [tilespmem:s22+$0xFFFFFE30];
	v1 =	vadd.f32 v8, v56  }
0x22b: {  	v8 =	vld [tilespmem:s22+$0xFFFFFEB0]  }
0x22c: {  	[tilespmem:s0+$0x10] =	vst v1;
	v1 =	vadd.f32 v5, v57;
	v5 =	vld [tilespmem:s22+$0xFFFFFEF0]  }
0x22d: {  	v60 =	vld [tilespmem:s21+$0x20]  }
0x22e: {  	[tilespmem:s0+$0x50] =	vst v1;
	v0 =	vadd.f32 v0, v7;
	v1 =	vld [tilespmem:s22+$0xFFFFFF30]  }
0x22f: {  	v7 =	vld [tilespmem:s21+$0x60]  }
0x230: {  	v3 =	vadd.f32 v3, v6;
	[tilespmem:s0+$0x90] =	vst v0;
	v0 =	vld [tilespmem:s22+$0xFFFFFF70]  }
0x231: {  	v2 =	vadd.f32 v8, v58;
	v6 =	vld [tilespmem:s21+$0xA0]  }
0x232: {  	[tilespmem:s0+$0xFFFFFF20] =	vst v3;
	v3 =	vld [tilespmem:s22+$0xFFFFFFB0]  }
0x233: {  	[tilespmem:s0+$0xFFFFFFA0] =	vst v2;
	v2 =	vadd.f32 v5, v59;
	v5 =	vld [tilespmem:s22+$0xFFFFFE80]  }
0x234: {  	v4 =	vld [tilespmem:s21+$0xFFFFFF30]  }
0x235: {  	v8 =	vld [tilespmem:s22+$0xFFFFFE40]  }
0x236: {  	v62 =	vld [tilespmem:s21+$0xFFFFFFB0]  }
0x237: {  	[tilespmem:s0+$0xFFFFFFE0] =	vst v2;
	v1 =	vadd.f32 v1, v60;
	v2 =	vld [tilespmem:s22+$0xFFFFFEC0]  }
0x238: {  	v9 =	vadd.f32 v54, v53;
	v63 =	vld [tilespmem:s21+$0xFFFFFFF0]  }
0x239: {  	[tilespmem:s0+$0x20] =	vst v1;
	v1 =	vadd.f32 v0, v7;
	v7 =	vld [tilespmem:s22+$0xFFFFFF00]  }
0x23a: {  	[tilespmem:s0+$0xF0] =	vst v9;
	v6 =	vadd.f32 v3, v6;
	v0 =	vld [tilespmem:s21+$0x30]  }
0x23b: {  	v3 =	vld [tilespmem:s22+$0xFFFFFF40];
	[tilespmem:s0+$0x60] =	vst v1;
	v4 =	vadd.f32 v8, v4  }
0x23c: {  	[tilespmem:s0+$0xA0] =	vst v6;
	v1 =	vld [tilespmem:s21+$0x70];
	v6 =	vadd.f32 v2, v62  }
0x23d: {  	v5 =	vadd.f32 v5, v61;
	[tilespmem:s0+$0xFFFFFF30] =	vst v4;
	v4 =	vld [tilespmem:s22+$0xFFFFFF80]  }
0x23e: {  	v2 =	vld [tilespmem:s21+$0xB0];
	[tilespmem:s0+$0xFFFFFFB0] =	vst v6;
	v6 =	vadd.f32 v7, v63  }
0x23f: {  	s24 =	simm.s32 $0x0;
	s25 =	simm.s32 $0x11700;
	[tilespmem:s0+$0xFFFFFF70] =	vst v5;
	s21 =	sadd.s32 $0x180, s19;
	v5 =	vld [tilespmem:s22+$0xFFFFFFC0]  }
.LBB2_21:
0x240: {  	v7 =	vld [tilespmem:s25+$0xC0];
	[tilespmem:s0+$0xFFFFFFF0] =	vst v6;
	v0 =	vadd.f32 v3, v0;
	s22 =	sadd.s32 $0x200, s22  }
0x241: {  	v3 =	vld [tilespmem:s22+$0xFFFFFFD0]  }
0x242: {  	v6 =	vld [tilespmem:s22+$0xFFFFFE10];
	[tilespmem:s0+$0x30] =	vst v0;
	v0 =	vadd.f32 v4, v1  }
0x243: {  	v1 =	vld [tilespmem:s25+$0xFFFFFF40]  }
0x244: {  	s24 =	sadd.s32 $0x8, s24;
	v4 =	vld [tilespmem:s22+$0xFFFFFE50];
	[tilespmem:s0+$0x70] =	vst v0;
	v0 =	vadd.f32 v5, v2  }
0x245: {  	p2 =	slt.u32 s24, $0x78;
	v2 =	vld [tilespmem:s25+$0xFFFFFF80]  }
0x246: {  	v5 =	vld [tilespmem:s22+$0xFFFFFE90];
	v3 =	vadd.f32 v3, v7;
	[tilespmem:s0+$0xB0] =	vst v0  }
0x247: {  	s0 =	sadd.s32 $0x200, s0;
	v0 =	vld [tilespmem:s25+$0xFFFFFFC0]  }
0x248: {  	v7 =	vld [tilespmem:s22+$0xFFFFFED0];
	[tilespmem:s0+$0xC0] =	vst v3  }
0x249: {  	v1 =	vadd.f32 v4, v1;
	v3 =	vld [tilespmem:s25+$0xD0]  }
0x24a: {  	v4 =	vld [tilespmem:s22+$0xFFFFFFE0]  }
0x24b: {  	[tilespmem:s0+$0xFFFFFF40] =	vst v1;
	v1 =	vadd.f32 v5, v2;
	v2 =	vld [tilespmem:s25+$0x0]  }
0x24c: {  	v5 =	vld [tilespmem:s22+$0xFFFFFF10]  }
0x24d: {  	[tilespmem:s0+$0xFFFFFF80] =	vst v1;
	v0 =	vadd.f32 v7, v0;
	v1 =	vld [tilespmem:s25+$0x40]  }
0x24e: {  	v7 =	vld [tilespmem:s22+$0xFFFFFF50]  }
0x24f: {  	[tilespmem:s0+$0xFFFFFFC0] =	vst v0;
	v0 =	vld [tilespmem:s25+$0x80];
	v3 =	vadd.f32 v4, v3  }
0x250: {  	v4 =	vld [tilespmem:s22+$0xFFFFFF90]  }
0x251: {  	v8 =	vld [tilespmem:s25+$0xFFFFFF00];
	v2 =	vadd.f32 v5, v2;
	[tilespmem:s0+$0xD0] =	vst v3  }
0x252: {  	v3 =	vld [tilespmem:s25+$0xE0]  }
0x253: {  	[tilespmem:s0+$0x0] =	vst v2;
	v1 =	vadd.f32 v7, v1;
	v2 =	vld [tilespmem:s22+$0xFFFFFFF0]  }
0x254: {  	v5 =	vld [tilespmem:s25+$0xFFFFFF50]  }
0x255: {  	v7 =	vld [tilespmem:s22+$0xFFFFFE60];
	[tilespmem:s0+$0x40] =	vst v1;
	v0 =	vadd.f32 v4, v0  }
0x256: {  	v1 =	vadd.f32 v6, v8;
	v4 =	vld [tilespmem:s25+$0xFFFFFF90]  }
0x257: {  	v6 =	vld [tilespmem:s22+$0xFFFFFEA0];
	[tilespmem:s0+$0x80] =	vst v0  }
0x258: {  	[tilespmem:s0+$0xFFFFFF00] =	vst v1;
	v0 =	vld [tilespmem:s25+$0xFFFFFFD0];
	v1 =	vadd.f32 v2, v3  }
0x259: {  	v2 =	vld [tilespmem:s25+$0xFFFFFF10]  }
0x25a: {  	v3 =	vld [tilespmem:s22+$0xFFFFFE20];
	v5 =	vadd.f32 v7, v5;
	[tilespmem:s0+$0xE0] =	vst v1  }
0x25b: {  	v1 =	vld [tilespmem:s25+$0xF0]  }
0x25c: {  	[tilespmem:s0+$0xFFFFFF50] =	vst v5;
	v4 =	vadd.f32 v6, v4;
	v5 =	vld [tilespmem:s22+$0x0]  }
0x25d: {  	v6 =	vld [tilespmem:s22+$0xFFFFFEE0]  }
0x25e: {  	[tilespmem:s0+$0xFFFFFF90] =	vst v4;
	v4 =	vld [tilespmem:s25+$0x10]  }
0x25f: {  	v2 =	vadd.f32 v3, v2;
	v3 =	vld [tilespmem:s22+$0xFFFFFF20]  }
0x260: {  	v7 =	vld [tilespmem:s25+$0x50]  }
0x261: {  	[tilespmem:s0+$0xFFFFFF10] =	vst v2;
	v2 =	vld [tilespmem:s22+$0xFFFFFF60];
	v1 =	vadd.f32 v5, v1  }
0x262: {  	v0 =	vadd.f32 v6, v0;
	v5 =	vld [tilespmem:s25+$0x90]  }
0x263: {  	v6 =	vld [tilespmem:s22+$0xFFFFFFA0];
	[tilespmem:s0+$0xF0] =	vst v1  }
0x264: {  	v1 =	vld [tilespmem:s25+$0xFFFFFF20];
	[tilespmem:s0+$0xFFFFFFD0] =	vst v0;
	v0 =	vadd.f32 v3, v4  }
0x265: {  	v3 =	vld [tilespmem:s22+$0xFFFFFE30]  }
0x266: {  	v4 =	vld [tilespmem:s25+$0xFFFFFF60];
	[tilespmem:s0+$0x10] =	vst v0;
	v0 =	vadd.f32 v2, v7  }
0x267: {  	v2 =	vld [tilespmem:s22+$0xFFFFFE70]  }
0x268: {  	v7 =	vld [tilespmem:s25+$0xFFFFFFA0];
	[tilespmem:s0+$0x50] =	vst v0;
	v0 =	vadd.f32 v6, v5  }
0x269: {  	v5 =	vld [tilespmem:s22+$0xFFFFFEB0]  }
0x26a: {  	v1 =	vadd.f32 v3, v1;
	v3 =	vld [tilespmem:s25+$0xFFFFFFE0];
	[tilespmem:s0+$0x90] =	vst v0  }
0x26b: {  	v0 =	vld [tilespmem:s22+$0xFFFFFEF0]  }
0x26c: {  	[tilespmem:s0+$0xFFFFFF20] =	vst v1;
	v1 =	vadd.f32 v2, v4;
	v2 =	vld [tilespmem:s25+$0x20]  }
0x26d: {  	v4 =	vld [tilespmem:s22+$0xFFFFFF30]  }
0x26e: {  	[tilespmem:s0+$0xFFFFFF60] =	vst v1;
	v1 =	vadd.f32 v5, v7;
	v5 =	vld [tilespmem:s25+$0x60]  }
0x26f: {  	v6 =	vld [tilespmem:s22+$0xFFFFFF70]  }
0x270: {  	[tilespmem:s0+$0xFFFFFFA0] =	vst v1;
	v0 =	vadd.f32 v0, v3;
	v1 =	vld [tilespmem:s25+$0xA0]  }
0x271: {  	v3 =	vld [tilespmem:s22+$0xFFFFFFB0]  }
0x272: {  	v7 =	vld [tilespmem:s25+$0xFFFFFF30];
	[tilespmem:s0+$0xFFFFFFE0] =	vst v0;
	v0 =	vadd.f32 v4, v2  }
0x273: {  	v2 =	vld [tilespmem:s22+$0xFFFFFE40]  }
0x274: {  	v4 =	vld [tilespmem:s25+$0xFFFFFF70];
	[tilespmem:s0+$0x20] =	vst v0;
	v0 =	vadd.f32 v6, v5  }
0x275: {  	v5 =	vld [tilespmem:s22+$0xFFFFFE80]  }
0x276: {  	v6 =	vld [tilespmem:s25+$0xFFFFFFB0];
	[tilespmem:s0+$0x60] =	vst v0;
	v0 =	vadd.f32 v3, v1  }
0x277: {  	v1 =	vld [tilespmem:s22+$0xFFFFFEC0]  }
0x278: {  	v2 =	vadd.f32 v2, v7;
	v7 =	vld [tilespmem:s25+$0xFFFFFFF0];
	[tilespmem:s0+$0xA0] =	vst v0  }
0x279: {  	v8 =	vld [tilespmem:s22+$0xFFFFFF00]  }
0x27a: {  	[tilespmem:s0+$0xFFFFFF30] =	vst v2;
	v2 =	vadd.f32 v5, v4;
	v0 =	vld [tilespmem:s25+$0x30]  }
.Ltmp14:
0x27b: {  	v3 =	vld [tilespmem:s22+$0xFFFFFF40];
	(pc) =	sbr.rel @p2 .LBB2_21-.Ltmp14, $4  }
0x27c: {  	[tilespmem:s0+$0xFFFFFF70] =	vst v2;
	v2 =	vadd.f32 v1, v6;
	v1 =	vld [tilespmem:s25+$0x70]  }
0x27d: {  	v4 =	vld [tilespmem:s22+$0xFFFFFF80]  }
0x27e: {  	[tilespmem:s0+$0xFFFFFFB0] =	vst v2;
	v6 =	vadd.f32 v8, v7;
	v2 =	vld [tilespmem:s25+$0xB0]  }
0x27f: {  	s25 =	sadd.s32 $0x200, s25;
	v5 =	vld [tilespmem:s22+$0xFFFFFFC0]  }
0x280: {  	_ =	sdelay $0x1  }
0x281: {  	v0 =	vadd.f32 v3, v0  }
.Ltmp15:
0x282: {  	[tilespmem:s0+$0xFFFFFFF0] =	vst v6;
	s21 =	sadd.s32 s6, s21;
	v1 =	vadd.f32 v4, v1;
	(pc) =	sbr.rel @p1 .LBB2_24-.Ltmp15, $4  }
0x283: {  	s21 =	sshll.u32 s21, $0x4;
	[tilespmem:s0+$0x30] =	vst v0;
	v63 =	vadd.f32 v5, v2  }
0x284: {  	s21 =	sand.u32 $0x1FFFF800, s21;
	[tilespmem:s0+$0x70] =	vst v1  }
0x285: {  	s29 =	simm.s32 $0x1B400;
	s28 =	sadd.s32 s5, s21;
	[tilespmem:s0+$0xB0] =	vst v63  }
0x286: {  	[hbm4b:s28+s17] =	stream.strided.scatter [tilespmem:s29], [sflag:$0x9], $0x2000, s18, s17, $0x38;
	[tilespmem:$0x1F400] =	vst v63  }
.Ltmp16:
0x287: {  	(pc) =	sbr.rel .LBB2_25-.Ltmp16, $4  }
0x288: {  	_ = 	snop  }
0x289: {  	_ =	swait.ge [sflag:s30], $0x2000  }
0x28a: {  	[sflag:s30] =	ssyncset.done $0x0  }
0x28b: {  	[sflag:s30] =	ssyncadd.s32 $0xFFFFE000  }
.LBB2_24:
0x28c: {  	s0 =	smul.u32 $0xA00, s14;
	_ =	sdelay $0x1  }
0x28d: {  	s0 =	sshra.s32 s0, $0x2  }
.Ltmp17:
0x28e: {  	s21 =	simm.s32 $0x11400;
	s0 =	sadd.s32 $0x400, s0;
	(pc) =	sbr.rel @p0 .LBB2_26-.Ltmp17, $4  }
0x28f: {  	[tilespmem:s21], [sflag:$0x4] =	stream.indirect.gather [hbm4b:s3+s18], $0x40, s0, s18, $0xb8;
	[tilespmem:$0x1F400] =	vst v63  }
0x290: {  	_ =	swait.ge [sflag:s30], $0x2000  }
0x291: {  	[sflag:s30] =	ssyncset.done $0x0  }
0x292: {  	[sflag:s30] =	ssyncadd.s32 $0xFFFFE000  }
.LBB2_25:
0x293: {  	_ =	swait.ge [sflag:s31], $0x2000  }
0x294: {  	[sflag:s31] =	ssyncset.done $0x0  }
0x295: {  	[sflag:s31] =	ssyncadd.s32 $0xFFFFE000  }
.LBB2_26:
0x296: {  	v1 =	vld [tilespmem:s15+$0xFFFFFFD0]  }
0x297: {  	v2 =	vld [tilespmem:s15+$0xFFFFFE10]  }
0x298: {  	v4 =	vld [tilespmem:s15+$0xFFFFFE50]  }
0x299: {  	v6 =	vld [tilespmem:s15+$0xFFFFFE90]  }
0x29a: {  	v7 =	vld [tilespmem:s15+$0xFFFFFED0]  }
0x29b: {  	s21 =	simm.s32 $0x13500;
	v10 =	vld [tilespmem:s15+$0xFFFFFF10]  }
0x29c: {  	v0 =	vld [tilespmem:s21+$0xC0]  }
0x29d: {  	v12 =	vld [tilespmem:s15+$0xFFFFFF50]  }
0x29e: {  	v3 =	vld [tilespmem:s21+$0xFFFFFF40]  }
0x29f: {  	v5 =	vld [tilespmem:s21+$0xFFFFFF80]  }
0x2a0: {  	v9 =	vld [tilespmem:s21+$0x0]  }
0x2a1: {  	v11 =	vld [tilespmem:s21+$0x40];
	v0 =	vadd.f32 v1, v0  }
0x2a2: {  	s0 =	simm.s32 $0x1D500;
	v1 =	vld [tilespmem:s21+$0xFFFFFFC0]  }
0x2a3: {  	v3 =	vadd.f32 v4, v3;
	v4 =	vld [tilespmem:s21+$0xFFFFFF00];
	[tilespmem:s0+$0xC0] =	vst v0  }
0x2a4: {  	v0 =	vld [tilespmem:s21+$0xD0]  }
0x2a5: {  	v8 =	vld [tilespmem:s15+$0xFFFFFFE0]  }
0x2a6: {  	v13 =	vld [tilespmem:s21+$0x80];
	[tilespmem:s0+$0xFFFFFF40] =	vst v3;
	v3 =	vadd.f32 v6, v5  }
0x2a7: {  	v6 =	vld [tilespmem:s21+$0xFFFFFF50]  }
0x2a8: {  	[tilespmem:s0+$0xFFFFFF80] =	vst v3;
	v3 =	vld [tilespmem:s15+$0xFFFFFE60];
	v1 =	vadd.f32 v7, v1  }
0x2a9: {  	v2 =	vadd.f32 v2, v4;
	v4 =	vld [tilespmem:s21+$0xFFFFFF90]  }
0x2aa: {  	[tilespmem:s0+$0xFFFFFFC0] =	vst v1;
	v1 =	vld [tilespmem:s15+$0xFFFFFEA0];
	v0 =	vadd.f32 v8, v0  }
0x2ab: {  	[tilespmem:s0+$0xFFFFFF00] =	vst v2;
	v2 =	vld [tilespmem:s21+$0xFFFFFFD0]  }
0x2ac: {  	v55 =	vld [tilespmem:s15+$0xFFFFFEE0];
	[tilespmem:s0+$0xD0] =	vst v0  }
0x2ad: {  	v3 =	vadd.f32 v3, v6;
	v0 =	vld [tilespmem:s21+$0xE0]  }
0x2ae: {  	v5 =	vld [tilespmem:s15+$0xFFFFFFF0]  }
0x2af: {  	v8 =	vld [tilespmem:s15+$0xFFFFFF90];
	[tilespmem:s0+$0xFFFFFF50] =	vst v3;
	v1 =	vadd.f32 v1, v4  }
0x2b0: {  	v4 =	vld [tilespmem:s21+$0xFFFFFF60]  }
0x2b1: {  	[tilespmem:s0+$0xFFFFFF90] =	vst v1;
	v1 =	vadd.f32 v55, v2;
	v2 =	vld [tilespmem:s15+$0xFFFFFE70]  }
0x2b2: {  	v7 =	vld [tilespmem:s15+$0xFFFFFE20]  }
0x2b3: {  	v58 =	vld [tilespmem:s21+$0xFFFFFFA0];
	v0 =	vadd.f32 v5, v0  }
0x2b4: {  	v5 =	vld [tilespmem:s21+$0xFFFFFF10];
	[tilespmem:s0+$0xFFFFFFD0] =	vst v1  }
0x2b5: {  	v59 =	vld [tilespmem:s21+$0xFFFFFFE0];
	[tilespmem:s0+$0xE0] =	vst v0;
	v0 =	vadd.f32 v10, v9  }
0x2b6: {  	v53 =	vld [tilespmem:s21+$0xF0];
	v2 =	vadd.f32 v2, v4  }
0x2b7: {  	v54 =	vld [tilespmem:s15+$0x0];
	[tilespmem:s0+$0x0] =	vst v0;
	v0 =	vadd.f32 v12, v11  }
0x2b8: {  	v56 =	vld [tilespmem:s21+$0x10];
	[tilespmem:s0+$0xFFFFFF60] =	vst v2  }
0x2b9: {  	[tilespmem:s0+$0x40] =	vst v0;
	v0 =	vadd.f32 v8, v13;
	v8 =	vld [tilespmem:s15+$0xFFFFFF20]  }
0x2ba: {  	v61 =	vld [tilespmem:s21+$0xFFFFFF70]  }
0x2bb: {  	v57 =	vld [tilespmem:s21+$0x50]  }
0x2bc: {  	[tilespmem:s0+$0x80] =	vst v0;
	v0 =	vadd.f32 v7, v5;
	v5 =	vld [tilespmem:s15+$0xFFFFFF60]  }
0x2bd: {  	v7 =	vld [tilespmem:s21+$0x90]  }
0x2be: {  	[tilespmem:s0+$0xFFFFFF10] =	vst v0;
	v0 =	vld [tilespmem:s15+$0xFFFFFFA0]  }
0x2bf: {  	v6 =	vld [tilespmem:s21+$0xFFFFFF20]  }
0x2c0: {  	v3 =	vld [tilespmem:s15+$0xFFFFFE30];
	v1 =	vadd.f32 v8, v56  }
0x2c1: {  	v8 =	vld [tilespmem:s15+$0xFFFFFEB0]  }
0x2c2: {  	[tilespmem:s0+$0x10] =	vst v1;
	v1 =	vadd.f32 v5, v57;
	v5 =	vld [tilespmem:s15+$0xFFFFFEF0]  }
0x2c3: {  	v60 =	vld [tilespmem:s21+$0x20]  }
0x2c4: {  	[tilespmem:s0+$0x50] =	vst v1;
	v0 =	vadd.f32 v0, v7;
	v1 =	vld [tilespmem:s15+$0xFFFFFF30]  }
0x2c5: {  	v7 =	vld [tilespmem:s21+$0x60]  }
0x2c6: {  	v3 =	vadd.f32 v3, v6;
	[tilespmem:s0+$0x90] =	vst v0;
	v0 =	vld [tilespmem:s15+$0xFFFFFF70]  }
0x2c7: {  	v2 =	vadd.f32 v8, v58;
	v6 =	vld [tilespmem:s21+$0xA0]  }
0x2c8: {  	[tilespmem:s0+$0xFFFFFF20] =	vst v3;
	v3 =	vld [tilespmem:s15+$0xFFFFFFB0]  }
0x2c9: {  	[tilespmem:s0+$0xFFFFFFA0] =	vst v2;
	v2 =	vadd.f32 v5, v59;
	v5 =	vld [tilespmem:s15+$0xFFFFFE80]  }
0x2ca: {  	v4 =	vld [tilespmem:s21+$0xFFFFFF30]  }
0x2cb: {  	v8 =	vld [tilespmem:s15+$0xFFFFFE40]  }
0x2cc: {  	v62 =	vld [tilespmem:s21+$0xFFFFFFB0]  }
0x2cd: {  	[tilespmem:s0+$0xFFFFFFE0] =	vst v2;
	v1 =	vadd.f32 v1, v60;
	v2 =	vld [tilespmem:s15+$0xFFFFFEC0]  }
0x2ce: {  	v9 =	vadd.f32 v54, v53;
	v63 =	vld [tilespmem:s21+$0xFFFFFFF0]  }
0x2cf: {  	[tilespmem:s0+$0x20] =	vst v1;
	v1 =	vadd.f32 v0, v7;
	v7 =	vld [tilespmem:s15+$0xFFFFFF00]  }
0x2d0: {  	[tilespmem:s0+$0xF0] =	vst v9;
	v6 =	vadd.f32 v3, v6;
	v0 =	vld [tilespmem:s21+$0x30]  }
0x2d1: {  	v3 =	vld [tilespmem:s15+$0xFFFFFF40];
	[tilespmem:s0+$0x60] =	vst v1;
	v4 =	vadd.f32 v8, v4  }
0x2d2: {  	[tilespmem:s0+$0xA0] =	vst v6;
	v1 =	vld [tilespmem:s21+$0x70];
	v6 =	vadd.f32 v2, v62  }
0x2d3: {  	v5 =	vadd.f32 v5, v61;
	[tilespmem:s0+$0xFFFFFF30] =	vst v4;
	v4 =	vld [tilespmem:s15+$0xFFFFFF80]  }
0x2d4: {  	v2 =	vld [tilespmem:s21+$0xB0];
	[tilespmem:s0+$0xFFFFFFB0] =	vst v6;
	v6 =	vadd.f32 v7, v63  }
0x2d5: {  	s19 =	sadd.s32 $0x200, s19;
	s22 =	simm.s32 $0x13700;
	[tilespmem:s0+$0xFFFFFF70] =	vst v5;
	s21 =	simm.s32 $0x0;
	v5 =	vld [tilespmem:s15+$0xFFFFFFC0]  }
.LBB2_27:
0x2d6: {  	v7 =	vld [tilespmem:s22+$0xC0];
	[tilespmem:s0+$0xFFFFFFF0] =	vst v6;
	v0 =	vadd.f32 v3, v0;
	s15 =	sadd.s32 $0x200, s15  }
0x2d7: {  	v3 =	vld [tilespmem:s15+$0xFFFFFFD0]  }
0x2d8: {  	v6 =	vld [tilespmem:s15+$0xFFFFFE10];
	[tilespmem:s0+$0x30] =	vst v0;
	v0 =	vadd.f32 v4, v1  }
0x2d9: {  	v1 =	vld [tilespmem:s22+$0xFFFFFF40]  }
0x2da: {  	s21 =	sadd.s32 $0x8, s21;
	v4 =	vld [tilespmem:s15+$0xFFFFFE50];
	[tilespmem:s0+$0x70] =	vst v0;
	v0 =	vadd.f32 v5, v2  }
0x2db: {  	p0 =	slt.u32 s21, $0x78;
	v2 =	vld [tilespmem:s22+$0xFFFFFF80]  }
0x2dc: {  	v5 =	vld [tilespmem:s15+$0xFFFFFE90];
	v3 =	vadd.f32 v3, v7;
	[tilespmem:s0+$0xB0] =	vst v0  }
0x2dd: {  	s0 =	sadd.s32 $0x200, s0;
	v0 =	vld [tilespmem:s22+$0xFFFFFFC0]  }
0x2de: {  	v7 =	vld [tilespmem:s15+$0xFFFFFED0];
	[tilespmem:s0+$0xC0] =	vst v3  }
0x2df: {  	v1 =	vadd.f32 v4, v1;
	v3 =	vld [tilespmem:s22+$0xD0]  }
0x2e0: {  	v4 =	vld [tilespmem:s15+$0xFFFFFFE0]  }
0x2e1: {  	[tilespmem:s0+$0xFFFFFF40] =	vst v1;
	v1 =	vadd.f32 v5, v2;
	v2 =	vld [tilespmem:s22+$0x0]  }
0x2e2: {  	v5 =	vld [tilespmem:s15+$0xFFFFFF10]  }
0x2e3: {  	[tilespmem:s0+$0xFFFFFF80] =	vst v1;
	v0 =	vadd.f32 v7, v0;
	v1 =	vld [tilespmem:s22+$0x40]  }
0x2e4: {  	v7 =	vld [tilespmem:s15+$0xFFFFFF50]  }
0x2e5: {  	[tilespmem:s0+$0xFFFFFFC0] =	vst v0;
	v0 =	vld [tilespmem:s22+$0x80];
	v3 =	vadd.f32 v4, v3  }
0x2e6: {  	v4 =	vld [tilespmem:s15+$0xFFFFFF90]  }
0x2e7: {  	v8 =	vld [tilespmem:s22+$0xFFFFFF00];
	v2 =	vadd.f32 v5, v2;
	[tilespmem:s0+$0xD0] =	vst v3  }
0x2e8: {  	v3 =	vld [tilespmem:s22+$0xE0]  }
0x2e9: {  	[tilespmem:s0+$0x0] =	vst v2;
	v1 =	vadd.f32 v7, v1;
	v2 =	vld [tilespmem:s15+$0xFFFFFFF0]  }
0x2ea: {  	v5 =	vld [tilespmem:s22+$0xFFFFFF50]  }
0x2eb: {  	v7 =	vld [tilespmem:s15+$0xFFFFFE60];
	[tilespmem:s0+$0x40] =	vst v1;
	v0 =	vadd.f32 v4, v0  }
0x2ec: {  	v1 =	vadd.f32 v6, v8;
	v4 =	vld [tilespmem:s22+$0xFFFFFF90]  }
0x2ed: {  	v6 =	vld [tilespmem:s15+$0xFFFFFEA0];
	[tilespmem:s0+$0x80] =	vst v0  }
0x2ee: {  	[tilespmem:s0+$0xFFFFFF00] =	vst v1;
	v0 =	vld [tilespmem:s22+$0xFFFFFFD0];
	v1 =	vadd.f32 v2, v3  }
0x2ef: {  	v2 =	vld [tilespmem:s22+$0xFFFFFF10]  }
0x2f0: {  	v3 =	vld [tilespmem:s15+$0xFFFFFE20];
	v5 =	vadd.f32 v7, v5;
	[tilespmem:s0+$0xE0] =	vst v1  }
0x2f1: {  	v1 =	vld [tilespmem:s22+$0xF0]  }
0x2f2: {  	[tilespmem:s0+$0xFFFFFF50] =	vst v5;
	v4 =	vadd.f32 v6, v4;
	v5 =	vld [tilespmem:s15+$0x0]  }
0x2f3: {  	v6 =	vld [tilespmem:s15+$0xFFFFFEE0]  }
0x2f4: {  	[tilespmem:s0+$0xFFFFFF90] =	vst v4;
	v4 =	vld [tilespmem:s22+$0x10]  }
0x2f5: {  	v2 =	vadd.f32 v3, v2;
	v3 =	vld [tilespmem:s15+$0xFFFFFF20]  }
0x2f6: {  	v7 =	vld [tilespmem:s22+$0x50]  }
0x2f7: {  	[tilespmem:s0+$0xFFFFFF10] =	vst v2;
	v2 =	vld [tilespmem:s15+$0xFFFFFF60];
	v1 =	vadd.f32 v5, v1  }
0x2f8: {  	v0 =	vadd.f32 v6, v0;
	v5 =	vld [tilespmem:s22+$0x90]  }
0x2f9: {  	v6 =	vld [tilespmem:s15+$0xFFFFFFA0];
	[tilespmem:s0+$0xF0] =	vst v1  }
0x2fa: {  	v1 =	vld [tilespmem:s22+$0xFFFFFF20];
	[tilespmem:s0+$0xFFFFFFD0] =	vst v0;
	v0 =	vadd.f32 v3, v4  }
0x2fb: {  	v3 =	vld [tilespmem:s15+$0xFFFFFE30]  }
0x2fc: {  	v4 =	vld [tilespmem:s22+$0xFFFFFF60];
	[tilespmem:s0+$0x10] =	vst v0;
	v0 =	vadd.f32 v2, v7  }
0x2fd: {  	v2 =	vld [tilespmem:s15+$0xFFFFFE70]  }
0x2fe: {  	v7 =	vld [tilespmem:s22+$0xFFFFFFA0];
	[tilespmem:s0+$0x50] =	vst v0;
	v0 =	vadd.f32 v6, v5  }
0x2ff: {  	v5 =	vld [tilespmem:s15+$0xFFFFFEB0]  }
0x300: {  	v1 =	vadd.f32 v3, v1;
	v3 =	vld [tilespmem:s22+$0xFFFFFFE0];
	[tilespmem:s0+$0x90] =	vst v0  }
0x301: {  	v0 =	vld [tilespmem:s15+$0xFFFFFEF0]  }
0x302: {  	[tilespmem:s0+$0xFFFFFF20] =	vst v1;
	v1 =	vadd.f32 v2, v4;
	v2 =	vld [tilespmem:s22+$0x20]  }
0x303: {  	v4 =	vld [tilespmem:s15+$0xFFFFFF30]  }
0x304: {  	[tilespmem:s0+$0xFFFFFF60] =	vst v1;
	v1 =	vadd.f32 v5, v7;
	v5 =	vld [tilespmem:s22+$0x60]  }
0x305: {  	v6 =	vld [tilespmem:s15+$0xFFFFFF70]  }
0x306: {  	[tilespmem:s0+$0xFFFFFFA0] =	vst v1;
	v0 =	vadd.f32 v0, v3;
	v1 =	vld [tilespmem:s22+$0xA0]  }
0x307: {  	v3 =	vld [tilespmem:s15+$0xFFFFFFB0]  }
0x308: {  	v7 =	vld [tilespmem:s22+$0xFFFFFF30];
	[tilespmem:s0+$0xFFFFFFE0] =	vst v0;
	v0 =	vadd.f32 v4, v2  }
0x309: {  	v2 =	vld [tilespmem:s15+$0xFFFFFE40]  }
0x30a: {  	v4 =	vld [tilespmem:s22+$0xFFFFFF70];
	[tilespmem:s0+$0x20] =	vst v0;
	v0 =	vadd.f32 v6, v5  }
0x30b: {  	v5 =	vld [tilespmem:s15+$0xFFFFFE80]  }
0x30c: {  	v6 =	vld [tilespmem:s22+$0xFFFFFFB0];
	[tilespmem:s0+$0x60] =	vst v0;
	v0 =	vadd.f32 v3, v1  }
0x30d: {  	v1 =	vld [tilespmem:s15+$0xFFFFFEC0]  }
0x30e: {  	v2 =	vadd.f32 v2, v7;
	v7 =	vld [tilespmem:s22+$0xFFFFFFF0];
	[tilespmem:s0+$0xA0] =	vst v0  }
0x30f: {  	v8 =	vld [tilespmem:s15+$0xFFFFFF00]  }
0x310: {  	[tilespmem:s0+$0xFFFFFF30] =	vst v2;
	v2 =	vadd.f32 v5, v4;
	v0 =	vld [tilespmem:s22+$0x30]  }
.Ltmp18:
0x311: {  	v3 =	vld [tilespmem:s15+$0xFFFFFF40];
	(pc) =	sbr.rel @p0 .LBB2_27-.Ltmp18, $4  }
0x312: {  	[tilespmem:s0+$0xFFFFFF70] =	vst v2;
	v2 =	vadd.f32 v1, v6;
	v1 =	vld [tilespmem:s22+$0x70]  }
0x313: {  	v4 =	vld [tilespmem:s15+$0xFFFFFF80]  }
0x314: {  	[tilespmem:s0+$0xFFFFFFB0] =	vst v2;
	v6 =	vadd.f32 v8, v7;
	v2 =	vld [tilespmem:s22+$0xB0]  }
0x315: {  	s22 =	sadd.s32 $0x200, s22;
	v5 =	vld [tilespmem:s15+$0xFFFFFFC0]  }
0x316: {  	_ =	sdelay $0x1  }
0x317: {  	v0 =	vadd.f32 v3, v0;
	p0 =	seq.s32 s14, $0x27  }
.Ltmp19:
0x318: {  	[tilespmem:s0+$0xFFFFFFF0] =	vst v6;
	s15 =	sadd.s32 s6, s19;
	v1 =	vadd.f32 v4, v1;
	(pc) =	sbr.rel @p0 .LBB2_30-.Ltmp19, $4  }
0x319: {  	s15 =	sshll.u32 s15, $0x4;
	[tilespmem:s0+$0x30] =	vst v0;
	v63 =	vadd.f32 v5, v2  }
0x31a: {  	s15 =	sand.u32 $0x1FFFF800, s15;
	[tilespmem:s0+$0x70] =	vst v1  }
0x31b: {  	s29 =	simm.s32 $0x1D400;
	s28 =	sadd.s32 s5, s15;
	[tilespmem:s0+$0xB0] =	vst v63  }
0x31c: {  	[hbm4b:s28+s17] =	stream.strided.scatter [tilespmem:s29], [sflag:$0xA], $0x2000, s18, s17, $0x38;
	[tilespmem:$0x1F400] =	vst v63  }
0x31d: {  	s0 =	smul.u32 $0xA00, s14  }
0x31e: {  	s15 =	simm.s32 $0x13400;
	s14 =	sadd.s32 $0x1, s14;
	s2 =	sadd.s32 $0xA000, s2  }
.Ltmp20:
0x31f: {  	s13 =	sadd.s32 $0x280, s13;
	s1 =	sadd.s32 $0xA000, s1;
	(pc) =	sbr.rel .LBB2_2-.Ltmp20, $4  }
0x320: {  	s12 =	sadd.s32 $0x280, s12;
	s9 =	sadd.s32 $0xA000, s9;
	s4 =	sadd.s32 $0x280, s4  }
0x321: {  	s10 =	sadd.s32 $0xA000, s10;
	s7 =	sadd.s32 $0x280, s7;
	s0 =	sshra.s32 s0, $0x2  }
0x322: {  	s11 =	sadd.s32 $0xA000, s11;
	s8 =	sadd.s32 $0x280, s8;
	s0 =	sadd.s32 $0x480, s0  }
0x323: {  	[tilespmem:s15], [sflag:$0x5] =	stream.indirect.gather [hbm4b:s3+s18], $0x40, s0, s18, $0xb8;
	[tilespmem:$0x1F400] =	vst v63  }
.LBB2_31:
0x324: {  	_ =	sfence.sel $0x180000  }
0x325: {  	[bflag:$0x0] =	sbarrier.arrive $0xFFFF  }
0x326: {  	_ =	strace $0x90000047  }
0x327: {  	s0 =	stileid.u32;
	[bflag:$0x2] =	sbarrier.arrive $0xFFFF  }
0x328: {  	p0 =	sne.s32 s0, $0x0;
	s0 =	rddreg [dreg:$0x2]  }
0x329: {  	s0 =	sadd.s32 @!p0 $0x100000, s0  }
0x32a: {  	[sflag:s0] =	ssyncadd.tile.s32 @!p0 $0x1;
	_ =	shalt  }
.Lfunc_end2:
_tile_overlayer_lowered:
.L_overlay_start_2:
0x32b: {  	(tag) =	ssettag $0x2  }
0x32c: {  	s0 =	rddreg [dreg:$0x0];
	s2 =	stileid.u32  }
0x32d: {  	s1 =	rddreg [dreg:$0x1];
	p0 =	sne.s32 s2, $0x0  }
0x32e: {  	s3 =	rddreg [dreg:$0x2];
	[bflag:$0x3] =	sbarrier.arrive $0xFFFF;
	s2 =	simm.s32 @!p0 $0x1C0B  }
0x32f: {  	[timem:s3], [sflag:s2] =	dma.local @!p0 [hbm:s0], s1  }
0x330: {  	s0 =	simm.s32 @!p0 $0xB  }
0x331: {  	_ =	swait.ge @!p0 [sflag:s0], s1  }
0x332: {  	s1 =	ssub.s32 @!p0 $0x0, s1;
	[sflag:s0] =	ssyncset.done @!p0 $0x0  }
0x333: {  	[sflag:s0] =	ssyncadd.s32 @!p0 s1  }
0x334: {  	[bflag:$0x3] =	sbarrier.arrive $0xFFFF  }
0x335: {  	_ =	shalt  }

// kernel: sparse-core-data-format-call.cloned.1.call-start
scs
called_computation_lowered:
.L_overlay_start_0:
0x0: {  	s2 =	sld [smem:$0x3FD9]  }
0x1: {  	s3 =	sld [smem:$0x3FFE];
	_ =	sdelay $0x1  }
0x2: {  	s1 =	srdreg.scid  }
0x3: {  	s0 =	sand.u32 $0x1, s1  }
0x4: {  	s18 =	sshll.u32 s0, $0xA;
	s2 =	sadd.s32 s3, s2  }
0x5: {  	s2 =	sadd.s32 s2, s18  }
0x6: {  	[smem:$0x3FC5] =	sst s2  }
0x7: {  	_ = 	snop  }
0x8: {  	s2 =	sld [smem:$0x3FD0];
	(tm) =	ssettm $0x1  }
0x9: {  	s19 =	sld [smem:$0x3FFB];
	_ =	sdelay $0x3  }
0xa: {  	_ =	strace s19  }
0xb: {  	s3 =	sld [smem:$0x3FFC];
	_ =	sdelay $0x3  }
0xc: {  	_ =	strace s3  }
0xd: {  	s3 =	sld [smem:$0x3FFD];
	_ =	sdelay $0x3  }
0xe: {  	_ =	strace s3  }
0xf: {  	_ =	strace $0x8FFFFFFF  }
0x10: {  	s20 =	sld [smem:$0x3FDB];
	_ =	sdelay $0x1  }
0x11: {  	s4 =	simm.s32 $_scs_section_size  }
0x12: {  	s5 =	simm.s32 $_size__tile_overlayer_lowered;
	s6 =	simm.s32 $_tile_overlayer_lowered  }
0x13: {  	s23 =	simm.s32 $0x1BFF;
	s22 =	sshll.u32 s6, $0x1;
	s3 =	sadd.s32 s4, s20  }
0x14: {  	s7 =	simm.s32 $0x0;
	s21 =	sshll.u32 s5, $0x1;
	s5 =	sadd.s32 s22, s3  }
0x15: {  	[timem:s7], [sflag:s23] =	dma.local [hbm:s5], s21  }
0x16: {  	_ =	swait.ge [sflag:s23], s21  }
0x17: {  	s4 =	ssub.s32 $0x0, s21;
	[sflag:s23] =	ssyncset.done $0x0  }
0x18: {  	[sflag:s23] =	ssyncadd.s32 s4;
	_ =	sdelay $0x1  }
0x19: {  	s24 =	simm.s32 $0x1B8B  }
0x1a: {  	_ =	swait.ge [sflag:s24], $0x1  }
0x1b: {  	[sflag:s24] =	ssyncset.done $0x0  }
0x1c: {  	s26 =	simm.s32 $0x1B8E;
	s25 =	sld [smem:$0x3FFE];
	[sflag:s24] =	ssyncadd.s32 $0xFFFFFFFF  }
0x1d: {  	s27 =	simm.s32 $execute0_lowered;
	[smem:$0x3FD2] =	sst s26  }
0x1e: {  	s5 =	sshll.u32 s27, $0x1;
	_ =	strace $0x80000049;
	[dreg:$0x1] =	wrdreg $0xFFFFFFFF  }
0x1f: {  	s28 =	simm.s32 $_size_execute0_lowered;
	s3 =	sadd.s32 s3, s5;
	[dreg:$0x0] =	wrdreg $0x0  }
0x20: {  	s5 =	sshll.u32 s28, $0x1;
	[dreg:$0x2] =	wrdreg s3  }
0x21: {  	[dreg:$0x3] =	wrdreg s5  }
0x22: {  	[dreg:$0x4] =	wrdreg $0xC0  }
0x23: {  	_ =	task [dreg:s7], $0x5FFFF  }
0x24: {  	[dreg:$0x1] =	wrdreg $0xFFFFFFFF  }
0x25: {  	[dreg:$0x0] =	wrdreg $0x60  }
0x26: {  	[dreg:$0x2] =	wrdreg s25  }
0x27: {  	[dreg:$0x3] =	wrdreg s2  }
0x28: {  	[dreg:$0x4] =	wrdreg $0x9  }
0x29: {  	_ =	task.clear_ibuf [dreg:s7], $0x5FFFF;
	_ =	strace $0x90000049  }
0x2a: {  	s29 =	simm.s32 $0x9;
	_ =	strace $0x8000004B  }
0x2b: {  	_ =	swait.ge [sflag:s29], $0x1  }
0x2c: {  	[sflag:s29] =	ssyncadd.s32 $0xFFFFFFFF  }
0x2d: {  	_ =	strace $0x9000004B  }
0x2e: {  	_ =	sfence  }
0x2f: {  	s30 =	sld [smem:$0x0];
	_ =	sdelay $0x2  }
0x30: {  	s31 =	sshll.u32 s1, $0xD;
	s1 =	sshrl.u32 s1, $0x2  }
0x31: {  	s3 =	sand.u32 $0x4000, s31;
	s1 =	sadd.s32 s1, s30  }
0x32: {  	s0 =	sor.u32 s3, s0;
	s1 =	sshll.u32 s1, $0x11  }
0x33: {  	s0 =	sor.u32 s1, s0  }
0x34: {  	s0 =	sadd.s32 $0x8F2B, s0  }
0x35: {  	[sflag:s0] =	ssyncadd.remote.s32 $0x1  }
0x36: {  	_ =	sfence.sel $0xFFFF  }
0x37: {  	[dreg:$0x0] =	wrdreg $0xFFFFFFFF;
	(pc) =	sbr.abs _section_cstart, $3  }
0x38: {  	[dreg:$0x1] =	wrdreg $0xFFFFFFFF  }
0x39: {  	_ =	task.clear_ibuf [dreg:s7], $0x2FFFF;
	_ =	strace $0x9FFFFFFF  }
0x3a: {  	(tm) =	ssettm $0x7FFFFFFF  }
0x3b: {  	_ =	shalt  }
tec
execute0_lowered:
.L_overlay_start_1:
0x0: {  	(tag) =	ssettag $0x1  }
0x1: {  	s0 =	srdreg.scid  }
0x2: {  	s1 =	sshll.u32 s0, $0x4  }
0x3: {  	s0 =	stileid.u32;
	s1 =	sand.u32 $0x10, s1  }
0x4: {  	s1 =	sor.u32 s0, s1  }
0x5: {  	s6 =	rddreg [dreg:$0x0];
	s4 =	simm.s32 $0x1;
	s2 =	sshll.u32 s1, $0x7  }
0x6: {  	s7 =	simm.s32 $0x2;
	s12 =	simm.s32 $0x0;
	s1 =	ssub.s32 $0x1000, s2  }
0x7: {  	s8 =	simm.s32 $0x8000;
	s13 =	simm.s32 $0x0;
	s3 =	sand.u32 $0xF80, s1  }
0x8: {  	s9 =	simm.s32 $0x0;
	s5 =	sshrl.u32 s1, $0xC;
	p0 =	sne.s32 s3, $0x0  }
.Ltmp0:
0x9: {  	s1 =	rddreg [dreg:$0x2];
	s4 =	simm.s32 @!p0 $0x0;
	(pc) =	sbr.rel .LBB1_1-.Ltmp0, $4  }
0xa: {  	s11 =	simm.s32 $0x0;
	s3 =	rddreg [dreg:$0x1];
	s5 =	sadd.s32 s4, s5  }
0xb: {  	_ =	strace $0x8000004A;
	s4 =	simm.s32 $0x1;
	s5 =	smul.u32 $0xC8, s5  }
0xc: {  	s6 =	sadd.s32 $0x1600, s6;
	s10 =	smov.u32 s2;
	[sflag:s4] =	ssyncpa.u1 $0x0  }
0xd: {  	p0 =	por $0x0, $0x0;
	[sflag:s7] =	ssyncpa.u1 $0x0;
	s7 =	sor.u32 $0x1, s5  }
.LBB1_4:
0xe: {  	s16 =	sshll.u32 s13, $0x3;
	s17 =	sand.u32 $0x78, s13  }
0xf: {  	s30 =	sand.u32 $0x7E00, s13;
	s12 =	sshll.u32 s12, $0xF;
	s16 =	sand.u32 $0xC00, s16  }
0x10: {  	[tilespmem:s15+$0x810 ss:$0x81] =	vst.msk $0xffff, v2;
	s31 =	sand.u32 $0x7, s13;
	s16 =	sor.u32 s17, s16;
	s17 =	sadd.s32 s3, s30  }
0x11: {  	[tilespmem:s15+$0x1020 ss:$0x81] =	vst.msk $0xffff, v0;
	s13 =	sshll.u32 s31, $0x12;
	s12 =	sadd.s32 s12, s17;
	s16 =	sshrl.u32 s16, $0x3  }
0x12: {  	[tilespmem:s15+$0x0 ss:$0x81] =	vst.msk $0xffff, v1;
	s13 =	sor.u32 $0x400, s13;
	s12 =	sadd.s32 s16, s12  }
0x13: {  	[hbm4b:s12+s13] =	stream.strided.scatter [tilespmem:s14], [sflag:$0x2], $0x2000, s8, s13, $0x20;
	[tilespmem:$0x8080] =	vst v63  }
.LBB1_5:
0x14: {  	s14 =	sadd.s32 $0x1, s9  }
0x15: {  	s12 =	sadd.s32 $0x1000, s10;
	s16 =	smov.u32 s10;
	p2 =	sgt.s32 s14, $0xC7  }
0x16: {  	s16 =	smov.u32 @p2 s12  }
0x17: {  	s14 =	simm.s32 @p2 $0x0;
	p2 =	sgt.s32 s16, $0xFFF  }
0x18: {  	s16 =	smov.u32 @p2 s2;
	p2 =	sne.s32 s11, s7  }
.Ltmp1:
0x19: {  	p1 =	slt.u32 s11, $0x2;
	(pc) =	sbr.rel @!p2 .LBB1_6-.Ltmp1, $4  }
0x1a: {  	s15 =	simm.s32 @!p1 $0x2  }
0x1b: {  	s13 =	smov.u32 s10;
	p0 =	por !p0, !p0;
	_ =	swait.ge @!p1 [sflag:s15], $0x2000  }
0x1c: {  	s12 =	smov.u32 s9;
	[sflag:s15] =	ssyncset.done @!p1 $0x0;
	s9 =	smov.u32 s14  }
0x1d: {  	s11 =	sadd.s32 $0x1, s11;
	[sflag:s15] =	ssyncadd.s32 @!p1 $0xFFFFE000;
	s10 =	smov.u32 s16  }
.LBB1_1:
0x1e: {  	p1 =	sge.u32 s11, s5  }
0x1f: {  	s14 =	sand.u32 @!p1 $0x1FFFFFF, s9  }
0x20: {  	s15 =	smulhi.u32 @!p1 $0x147AE15, s14;
	_ =	sdelay $0x1  }
0x21: {  	s15 =	smul.u32 @!p1 $0xC8, s15  }
0x22: {  	s16 =	sxor.u32 @!p1 $0xFFFFFFFF, s11;
	s17 =	smul.u32 @!p1 $0xC80, s10  }
0x23: {  	s31 =	sadd.s32 $0xFFFFFFFF, s11;
	s16 =	sshll.u32 @!p1 s16, $0xD;
	s14 =	ssub.s32 @!p1 s14, s15  }
0x24: {  	s15 =	sand.u32 @!p1 $0x2000, s16;
	s16 =	sadd.s32 @!p1 s6, s17;
	s14 =	sshll.u32 @!p1 s14, $0x4  }
0x25: {  	s17 =	simm.s32 @!p1 $0x6400;
	s14 =	sadd.s32 @!p1 s14, s16;
	s16 =	simm.s32 @!p1 $0x40  }
0x26: {  	[tilespmem:s15], [sflag:$0x1] =	stream.strided.gather @!p1 [hbm4b:s14+s16], $0x2000, s17, s16, $0x38;
	[tilespmem:$0x8080] =	vst v63  }
0x27: {  	p1 =	sge.u32 s31, s5  }
.Ltmp2:
0x28: {  	_ = 	snop;
	(pc) =	sbr.rel @p1 .LBB1_5-.Ltmp2, $1  }
0x29: {  	_ =	sdelay $0x3  }
0x2a: {  	s14 =	simm.s32 $0x1  }
0x2b: {  	_ =	swait.ge [sflag:s4], $0x2000;
	s14 =	simm.s32 @!p0 $0x0  }
0x2c: {  	[sflag:s4] =	ssyncset.done $0x0;
	s15 =	sshll.u32 s14, $0xD  }
0x2d: {  	[sflag:s4] =	ssyncadd.s32 $0xFFFFE000;
	s18 =	sor.u32 $0x20, s15  }
0x2e: {  	s14 =	smul.u32 $0x8100, s14;
	v3 =	vld [tilespmem:s18+$0x10]  }
0x2f: {  	s30 =	sand.u32 $0x1, s11;
	v2 =	vld [tilespmem:s18+$0xFFFFFFF0]  }
0x30: {  	s15 =	smul.u32 $0x8100, s30;
	s14 =	sshrl.u32 s14, $0x2;
	v0 =	vld [tilespmem:s18+$0x0]  }
0x31: {  	v1 =	vld [tilespmem:s18+$0xFFFFFFE0];
	s16 =	sor.u32 $0x4000, s14  }
0x32: {  	s31 =	sshrl.u32 s15, $0x2;
	s15 =	sadd.s32 $0x0, s16  }
0x33: {  	s17 =	simm.s32 $0x4;
	s18 =	sadd.s32 $0x40, s18;
	s14 =	sor.u32 $0x4000, s31;
	[tilespmem:s15+$0x1830 ss:$0x81] =	vst.msk $0xffff, v3  }
.LBB1_3:
0x34: {  	v3 =	vld [tilespmem:s18+$0x10];
	p1 =	sne.s32 s17, $0x1FC;
	[tilespmem:s15+$0x810 ss:$0x81] =	vst.msk $0xffff, v2;
	s19 =	smov.u32 s17;
	s17 =	sadd.s32 $0x4, s17  }
.Ltmp3:
0x35: {  	v2 =	vld [tilespmem:s18+$0xFFFFFFF0];
	[tilespmem:s15+$0x1020 ss:$0x81] =	vst.msk $0xffff, v0;
	(pc) =	sbr.rel @p1 .LBB1_3-.Ltmp3, $4  }
0x36: {  	v0 =	vld [tilespmem:s18+$0x0];
	[tilespmem:s15+$0x0 ss:$0x81] =	vst.msk $0xffff, v1  }
0x37: {  	s15 =	sshra.s32 s19, $0x2;
	v1 =	vld [tilespmem:s18+$0xFFFFFFE0]  }
0x38: {  	s15 =	sadd.s32 s15, s16  }
0x39: {  	s18 =	sadd.s32 $0x40, s18;
	[tilespmem:s15+$0x1830 ss:$0x81] =	vst.msk $0xffff, v3  }
.Ltmp4:
0x3a: {  	_ = 	snop;
	(pc) =	sbr.rel .LBB1_4-.Ltmp4, $1  }
0x3b: {  	_ =	sdelay $0x3  }
.LBB1_6:
0x3c: {  	_ =	sfence.sel $0x180000  }
0x3d: {  	s2 =	simm.s32 $0x1;
	[bflag:$0x0] =	sbarrier.arrive $0xFFFF  }
0x3e: {  	s31 =	simm.s32 $0x2;
	[sflag:s2] =	ssyncpa.u1 $0x1  }
0x3f: {  	[sflag:s31] =	ssyncpa.u1 $0x1  }
0x40: {  	p0 =	sne.s32 s0, $0x0;
	_ =	strace $0x9000004A  }
0x41: {  	s0 =	sadd.s32 @!p0 $0x100000, s1;
	[bflag:$0x2] =	sbarrier.arrive $0xFFFF  }
0x42: {  	[sflag:s0] =	ssyncadd.tile.s32 @!p0 $0x1;
	_ =	shalt  }
.Lfunc_end1:
_tile_overlayer_lowered:
.L_overlay_start_2:
0x43: {  	(tag) =	ssettag $0x2  }
0x44: {  	s0 =	rddreg [dreg:$0x0];
	s2 =	stileid.u32  }
0x45: {  	s1 =	rddreg [dreg:$0x1];
	p0 =	sne.s32 s2, $0x0  }
0x46: {  	s3 =	rddreg [dreg:$0x2];
	[bflag:$0x3] =	sbarrier.arrive $0xFFFF;
	s2 =	simm.s32 @!p0 $0x1C01  }
0x47: {  	[timem:s3], [sflag:s2] =	dma.local @!p0 [hbm:s0], s1  }
0x48: {  	s0 =	simm.s32 @!p0 $0x1  }
0x49: {  	_ =	swait.ge @!p0 [sflag:s0], s1  }
0x4a: {  	s1 =	ssub.s32 @!p0 $0x0, s1;
	[sflag:s0] =	ssyncset.done @!p0 $0x0  }
0x4b: {  	[sflag:s0] =	ssyncadd.s32 @!p0 s1  }
0x4c: {  	[bflag:$0x3] =	sbarrier.arrive $0xFFFF  }
0x4d: {  	_ =	shalt  }

</sc_bundles>
